<compile_context>
chip_gen: v7x
topology: tpu7x:2x2x1
jax: 0.10.2.dev20260603
libtpu: 0.0.44.dev20260713+nightly
codegen_flags: <defaults>
</compile_context>

<pallas_src>
import functools

import jax
import jax.numpy as jnp
from jax import lax
from jax.experimental import pallas as pl
from jax.experimental.pallas import tpu as pltpu
from jax.experimental.pallas import tpu_sc as plsc

NN = 10000
NE = 320000
D = 128
NC = 2
NS = 16
NW = NC * NS
EPW = NE // NW
CB = 80
NCHUNK = EPW // CB
WR = 40
F32 = jnp.float32

_MESH = plsc.VectorSubcoreMesh(core_axis_name="c", subcore_axis_name="s")
_SC_PARAMS = pltpu.CompilerParams(needs_layout_passes=False)


def _sds(shape, dtype=F32):
    return jax.ShapeDtypeStruct(shape, dtype)


NG = CB // 16


def _prep_body(xx_hbm, xy_hbm, xz_hbm, row_hbm, col_hbm, ea_hbm, cd_hbm,
               xxv, xyv, xzv, ridx0, cidx0, eab0, cdb0,
               ridx1, cidx1, eab1, cdb1, semL0, semL1, semW0, semW1):
    cid = lax.axis_index("c")
    sid = lax.axis_index("s")
    base = (cid * NS + sid) * EPW
    ridx, cidx = (ridx0, ridx1), (cidx0, cidx1)
    eab, cdb = (eab0, eab1), (cdb0, cdb1)
    semL, semW = (semL0, semL1), (semW0, semW1)
    pltpu.sync_copy(xx_hbm, xxv)
    pltpu.sync_copy(xy_hbm, xyv)
    pltpu.sync_copy(xz_hbm, xzv)

    for bb in (0, 1):
        def z(j, c, bb=bb):
            cdb[bb][j] = jnp.zeros((16,), F32)
            return c
        lax.fori_loop(0, CB, z, 0)
    lane16 = lax.iota(jnp.int32, 16)

    def issue(k, b):
        off = base + k * CB
        pltpu.async_copy(row_hbm.at[pl.ds(off, CB)], ridx[b], semL[b])
        pltpu.async_copy(col_hbm.at[pl.ds(off, CB)], cidx[b], semL[b])
        pltpu.async_copy(ea_hbm.at[pl.ds(off, CB)], eab[b], semL[b])

    issue(0, 0)

    def outer(t, carry):
        for b in (0, 1):
            k = 2 * t + b
            nb = 1 - b

            @pl.when(k + 1 < NCHUNK)
            def _issue_next():
                issue(k + 1, nb)

            @pl.when(k < NCHUNK)
            def _drain():
                pltpu.make_async_copy(
                    row_hbm.at[pl.ds(0, CB)], ridx[b], semL[b]).wait()
                pltpu.make_async_copy(
                    row_hbm.at[pl.ds(0, CB)], cidx[b], semL[b]).wait()
                pltpu.make_async_copy(
                    ea_hbm.at[pl.ds(0, CB)], eab[b], semL[b]).wait()

                @pl.when(k >= 2)
                def _wait_write():
                    pltpu.make_async_copy(
                        cdb[b], cd_hbm.at[0, pl.ds(0, CB)], semW[b]).wait()

                def grp(j, c2):
                    r = ridx[b][pl.ds(j * 16, 16)]
                    cc = cidx[b][pl.ds(j * 16, 16)]
                    erow = j * 16 + lane16
                    for comp, ref in enumerate((xxv, xyv, xzv)):
                        d = (plsc.load_gather(ref, [r])
                             - plsc.load_gather(ref, [cc]))
                        plsc.store_scatter(
                            cdb[b], [erow, jnp.full((16,), comp, jnp.int32)],
                            d)
                    for comp in range(4):
                        v = plsc.load_gather(
                            eab[b], [erow, jnp.full((16,), comp, jnp.int32)])
                        plsc.store_scatter(
                            cdb[b],
                            [erow, jnp.full((16,), comp + 3, jnp.int32)], v)
                    return c2

                lax.fori_loop(0, NG, grp, 0)
                off_l = sid * EPW + k * CB
                pltpu.async_copy(
                    cdb[b], cd_hbm.at[cid, pl.ds(off_l, CB)], semW[b])
        return carry

    lax.fori_loop(0, (NCHUNK + 1) // 2, outer, 0)
    pltpu.make_async_copy(cdb[0], cd_hbm.at[0, pl.ds(0, CB)], semW[0]).wait()
    pltpu.make_async_copy(cdb[1], cd_hbm.at[0, pl.ds(0, CB)], semW[1]).wait()


@jax.jit
def _prep(xx, xy, xz, row, col, ea):
    return pl.kernel(
        _prep_body,
        out_type=_sds((NC, NE2, 16)),
        mesh=_MESH,
        compiler_params=_SC_PARAMS,
        scratch_types=[
            pltpu.VMEM((NN,), F32),
            pltpu.VMEM((NN,), F32),
            pltpu.VMEM((NN,), F32),
            pltpu.VMEM((CB,), jnp.int32),
            pltpu.VMEM((CB,), jnp.int32),
            pltpu.VMEM((CB, 4), F32),
            pltpu.VMEM((CB, 16), F32),
            pltpu.VMEM((CB,), jnp.int32),
            pltpu.VMEM((CB,), jnp.int32),
            pltpu.VMEM((CB, 4), F32),
            pltpu.VMEM((CB, 16), F32),
            pltpu.SemaphoreType.DMA,
            pltpu.SemaphoreType.DMA,
            pltpu.SemaphoreType.DMA,
            pltpu.SemaphoreType.DMA,
        ],
    )(xx, xy, xz, row, col, ea)


def _make_gather(ne, cb, half_off):
    epw = ne // NW
    nchunk = epw // cb

    def body(ha_hbm, hb_hbm, row_hbm, col_hbm, g_hbm,
             ridx0, cidx0, ridx1, cidx1, gA0, gB0, gA1, gB1,
             semG0, semG1, semW0, semW1):
        wid = lax.axis_index("c") * NS + lax.axis_index("s")
        base = wid * epw
        ridx, cidx = (ridx0, ridx1), (cidx0, cidx1)
        gA, gB = (gA0, gA1), (gB0, gB1)
        semG, semW = (semG0, semG1), (semW0, semW1)

        def issue(k, b):
            off = base + k * cb
            pltpu.sync_copy(row_hbm.at[pl.ds(half_off + off, cb)], ridx[b])
            pltpu.sync_copy(col_hbm.at[pl.ds(half_off + off, cb)], cidx[b])
            pltpu.async_copy(ha_hbm.at[ridx[b]], gA[b], semG[b])
            pltpu.async_copy(hb_hbm.at[cidx[b]], gB[b], semG[b])

        issue(0, 0)

        def outer(t, carry):
            for b in (0, 1):
                k = 2 * t + b
                nb = 1 - b

                @pl.when(k + 1 < nchunk)
                def _issue_next():
                    @pl.when(k >= 1)
                    def _wait_write():
                        pltpu.make_async_copy(
                            gA[nb], g_hbm.at[pl.ds(0, cb)], semW[nb]).wait()
                    issue(k + 1, nb)

                @pl.when(k < nchunk)
                def _drain():
                    pltpu.make_async_copy(
                        ha_hbm.at[pl.ds(0, cb)], gA[b], semG[b]).wait()
                    pltpu.make_async_copy(
                        ha_hbm.at[pl.ds(0, cb)], gB[b], semG[b]).wait()

                    def add(j, c):
                        def addl(l, c2):
                            sl = pl.ds(l * 16, 16)
                            gA[b][j, sl] = gA[b][j, sl] + gB[b][j, sl]
                            return c2
                        return lax.fori_loop(0, D // 16, addl, c)

                    lax.fori_loop(0, cb, add, 0)
                    off = base + k * cb
                    pltpu.async_copy(gA[b], g_hbm.at[pl.ds(off, cb)], semW[b])
            return carry

        lax.fori_loop(0, (nchunk + 1) // 2, outer, 0)
        pltpu.make_async_copy(gA[0], g_hbm.at[pl.ds(0, cb)], semW[0]).wait()
        pltpu.make_async_copy(gA[1], g_hbm.at[pl.ds(0, cb)], semW[1]).wait()

    @jax.jit
    def run(ha, hb, row, col):
        return pl.kernel(
            body,
            out_type=_sds((ne, D)),
            mesh=_MESH,
            compiler_params=_SC_PARAMS,
            scratch_types=[
                pltpu.VMEM((cb,), jnp.int32),
                pltpu.VMEM((cb,), jnp.int32),
                pltpu.VMEM((cb,), jnp.int32),
                pltpu.VMEM((cb,), jnp.int32),
                pltpu.VMEM((cb, D), F32),
                pltpu.VMEM((cb, D), F32),
                pltpu.VMEM((cb, D), F32),
                pltpu.VMEM((cb, D), F32),
                pltpu.SemaphoreType.DMA,
                pltpu.SemaphoreType.DMA,
                pltpu.SemaphoreType.DMA,
                pltpu.SemaphoreType.DMA,
            ],
        )(ha, hb, row, col)

    return run


NE2 = NE // 2
CB2 = 40
_gather_h0 = _make_gather(NE2, CB2, 0)
_gather_h1 = _make_gather(NE2, CB2, NE2)


NCHN = NN // WR
NTRIP = (NCHN + NS - 1) // NS


def _zero_shared(shared, zb, sid):
    def zrow(i, c):
        def zlane(l, c2):
            zb[i, pl.ds(l * 16, 16)] = jnp.zeros((16,), F32)
            return c2
        return lax.fori_loop(0, D // 16, zlane, c)

    lax.fori_loop(0, WR, zrow, 0)

    def zcopy(t, c):
        cidx = t * NS + sid

        @pl.when(cidx < NCHN)
        def _():
            pltpu.sync_copy(zb, shared.at[pl.ds(cidx * WR, WR)])
        return c

    lax.fori_loop(0, NTRIP, zcopy, 0)


def _writeout(shared, ob, out_hbm, cid, sid):
    def wout(t, c):
        cidx = t * NS + sid

        @pl.when(cidx < NCHN)
        def _():
            r0 = cidx * WR
            pltpu.sync_copy(shared.at[pl.ds(r0, WR)], ob)
            pltpu.sync_copy(ob, out_hbm.at[cid, pl.ds(r0, WR)])
        return c

    lax.fori_loop(0, NTRIP, wout, 0)


def _make_scatter(ne, cb, half_off):
    epw = ne // NW
    nchunk = epw // cb

    def body(m2_hbm, row_hbm, agg_hbm, ridx0, mb0, ridx1, mb1, ob,
             shared, semL0, semL1, semS0, semS1):
        cid = lax.axis_index("c")
        sid = lax.axis_index("s")
        _zero_shared(shared, ob, sid)
        plsc.subcore_barrier()
        base = (cid * NS + sid) * epw
        ridx, mb = (ridx0, ridx1), (mb0, mb1)
        semL, semS = (semL0, semL1), (semS0, semS1)

        def issue(k, b):
            off = base + k * cb
            pltpu.async_copy(
                row_hbm.at[pl.ds(half_off + off, cb)], ridx[b], semL[b])
            pltpu.async_copy(m2_hbm.at[pl.ds(off, cb)], mb[b], semL[b])

        issue(0, 0)

        def outer(t, carry):
            for b in (0, 1):
                k = 2 * t + b
                nb = 1 - b

                @pl.when(k + 1 < nchunk)
                def _issue_next():
                    @pl.when(k >= 1)
                    def _wait_scat():
                        pltpu.make_async_copy(
                            mb[nb], shared.at[pl.ds(0, cb)], semS[nb]).wait()
                    issue(k + 1, nb)

                @pl.when(k < nchunk)
                def _drain():
                    pltpu.make_async_copy(
                        row_hbm.at[pl.ds(0, cb)], ridx[b], semL[b]).wait()
                    pltpu.make_async_copy(
                        m2_hbm.at[pl.ds(0, cb)], mb[b], semL[b]).wait()
                    pltpu.async_copy(
                        mb[b], shared.at[ridx[b]], semS[b], add=True)
            return carry

        lax.fori_loop(0, (nchunk + 1) // 2, outer, 0)
        pltpu.make_async_copy(mb[0], shared.at[pl.ds(0, cb)], semS[0]).wait()
        pltpu.make_async_copy(mb[1], shared.at[pl.ds(0, cb)], semS[1]).wait()
        plsc.subcore_barrier()
        _writeout(shared, ob, agg_hbm, cid, sid)

    @jax.jit
    def run(m2, row):
        return pl.kernel(
            body,
            out_type=_sds((NC, NN, D)),
            mesh=_MESH,
            compiler_params=_SC_PARAMS,
            scratch_types=[
                pltpu.VMEM((cb,), jnp.int32),
                pltpu.VMEM((cb, D), F32),
                pltpu.VMEM((cb,), jnp.int32),
                pltpu.VMEM((cb, D), F32),
                pltpu.VMEM((WR, D), F32),
                pltpu.VMEM_SHARED((NN, D), F32),
                pltpu.SemaphoreType.DMA,
                pltpu.SemaphoreType.DMA,
                pltpu.SemaphoreType.DMA,
                pltpu.SemaphoreType.DMA,
            ],
        )(m2, row)

    return run


_scatter_h0 = _make_scatter(NE2, CB2, 0)
_scatter_h1 = _make_scatter(NE2, CB2, NE2)


def _scatter_tr_body(tr0_hbm, tr1_hbm, row_hbm, xacc_hbm,
                     ridx0, trb0, ridx1, trb1, px, py, pz, pc,
                     semL0, semL1):
    cid = lax.axis_index("c")
    sid = lax.axis_index("s")
    wid = cid * NS + sid
    pacc = (px, py, pz, pc)
    for p in pacc:
        def zp(j, c, p=p):
            p[pl.ds(j * 16, 16)] = jnp.zeros((16,), F32)
            return c
        lax.fori_loop(0, NN // 16, zp, 0)
    base = sid * EPW
    ridx, trb = (ridx0, ridx1), (trb0, trb1)
    semL = (semL0, semL1)
    lane16 = lax.iota(jnp.int32, 16)

    def issue(k, b):
        off = base + k * CB
        pltpu.async_copy(
            row_hbm.at[pl.ds(cid * NE2 + off, CB)], ridx[b], semL[b])

        @pl.when(cid == 0)
        def _h0():
            pltpu.async_copy(tr0_hbm.at[pl.ds(off, CB)], trb[b], semL[b])

        @pl.when(cid == 1)
        def _h1():
            pltpu.async_copy(tr1_hbm.at[pl.ds(off, CB)], trb[b], semL[b])

    issue(0, 0)

    def outer(t, carry):
        for b in (0, 1):
            k = 2 * t + b
            nb = 1 - b

            @pl.when(k + 1 < NCHUNK)
            def _issue_next():
                issue(k + 1, nb)

            @pl.when(k < NCHUNK)
            def _drain():
                pltpu.make_async_copy(
                    row_hbm.at[pl.ds(0, CB)], ridx[b], semL[b]).wait()
                pltpu.make_async_copy(
                    tr0_hbm.at[pl.ds(0, CB)], trb[b], semL[b]).wait()

                def grp(j, c2):
                    idxv = ridx[b][pl.ds(j * 16, 16)]
                    erow = j * 16 + lane16
                    for comp, p in enumerate(pacc):
                        v = plsc.load_gather(
                            trb[b], [erow, jnp.full((16,), comp, jnp.int32)])
                        plsc.addupdate_scatter(p, [idxv], v)
                    return c2

                lax.fori_loop(0, NG, grp, 0)
        return carry

    lax.fori_loop(0, (NCHUNK + 1) // 2, outer, 0)
    for comp, p in enumerate(pacc):
        pltpu.sync_copy(p, xacc_hbm.at[comp, wid])


@jax.jit
def _scatter_tr(tr0, tr1, row):
    return pl.kernel(
        _scatter_tr_body,
        out_type=_sds((4, NW, NN)),
        mesh=_MESH,
        compiler_params=_SC_PARAMS,
        scratch_types=[
            pltpu.VMEM((CB,), jnp.int32),
            pltpu.VMEM((CB, 16), F32),
            pltpu.VMEM((CB,), jnp.int32),
            pltpu.VMEM((CB, 16), F32),
            pltpu.VMEM((NN,), F32),
            pltpu.VMEM((NN,), F32),
            pltpu.VMEM((NN,), F32),
            pltpu.VMEM((NN,), F32),
            pltpu.SemaphoreType.DMA,
            pltpu.SemaphoreType.DMA,
        ],
    )(tr0, tr1, row)


BN = 1000
BE = 2000


def _full(shape):
    return pl.BlockSpec(shape, lambda i: (0,) * len(shape))


def _pre_body(h_ref, w1at, w1bt, b1, ha_ref, hb_ref):
    h = h_ref[...]
    ha_ref[...] = jnp.dot(h, w1at[...], preferred_element_type=F32) + b1[...]
    hb_ref[...] = jnp.dot(h, w1bt[...], preferred_element_type=F32)


@jax.jit
def _pre(h, w1at, w1bt, b1):
    return pl.pallas_call(
        _pre_body,
        grid=(NN // BN,),
        in_specs=[
            pl.BlockSpec((BN, D), lambda i: (i, 0)),
            _full((D, D)), _full((D, D)), _full((1, D)),
        ],
        out_specs=[pl.BlockSpec((BN, D), lambda i: (i, 0))] * 2,
        out_shape=[_sds((NN, D))] * 2,
    )(h, w1at, w1bt, b1)


def _silu(v):
    return v * (0.5 * jnp.tanh(0.5 * v) + 0.5)


def _radial_of(cd, shape):
    lane = lax.broadcasted_iota(jnp.int32, shape, 1)
    return jnp.sum(jnp.where(lane < 3, cd * cd, 0.0), axis=1, keepdims=True)


def _edge_core(g_ref, cd_ref, wrt, w1et, w2t, b2):
    g = g_ref[...]
    cd = cd_ref[...]
    radial = _radial_of(cd, (BE, 16))
    pre = g + radial * wrt[...] + jnp.dot(
        cd, w1et[...], preferred_element_type=F32)
    m = _silu(pre.astype(jnp.bfloat16))
    return _silu(jnp.dot(m, w2t[...], preferred_element_type=F32)
                 + b2[...])


def _edge_body(g_ref, cd_ref, wrt, w1et, w2t, b2, m2_ref):
    m2_ref[...] = _edge_core(g_ref, cd_ref, wrt, w1et, w2t, b2)


@jax.jit
def _edge(g, cd, wrt, w1et, w2t, b2):
    return pl.pallas_call(
        _edge_body,
        grid=(NE2 // BE,),
        in_specs=[
            pl.BlockSpec((BE, D), lambda i: (i, 0)),
            pl.BlockSpec((BE, 16), lambda i: (i, 0)),
            _full((1, D)), _full((16, D)), _full((D, D)), _full((1, D)),
        ],
        out_specs=pl.BlockSpec((BE, D), lambda i: (i, 0)),
        out_shape=_sds((NE2, D)),
    )(g, cd, wrt, w1et, w2t, b2)


def _edge_last_body(g_ref, cd_ref, wrt, w1et, w2t, b2,
                    cw1t, cb1, cw2, m2_ref, tr_ref):
    m2 = _edge_core(g_ref, cd_ref, wrt, w1et, w2t, b2)
    m2_ref[...] = m2
    t = _silu(jnp.dot(m2, cw1t[...], preferred_element_type=F32)
              + cb1[...])
    phi = jnp.sum(t * cw2[...], axis=1, keepdims=True)
    lane = lax.broadcasted_iota(jnp.int32, (BE, 16), 1)
    tr_ref[...] = jnp.where(lane < 3, cd_ref[...] * phi,
                            jnp.where(lane == 3, 1.0, 0.0))


@jax.jit
def _edge_last(g, cd, wrt, w1et, w2t, b2, cw1t, cb1, cw2):
    return pl.pallas_call(
        _edge_last_body,
        grid=(NE2 // BE,),
        in_specs=[
            pl.BlockSpec((BE, D), lambda i: (i, 0)),
            pl.BlockSpec((BE, 16), lambda i: (i, 0)),
            _full((1, D)), _full((16, D)), _full((D, D)), _full((1, D)),
            _full((D, D)), _full((1, D)), _full((1, D)),
        ],
        out_specs=[pl.BlockSpec((BE, D), lambda i: (i, 0)),
                   pl.BlockSpec((BE, 16), lambda i: (i, 0))],
        out_shape=[_sds((NE2, D)), _sds((NE2, 16))],
    )(g, cd, wrt, w1et, w2t, b2, cw1t, cb1, cw2)


def _node_core(h_ref, a0_ref, a1_ref, a2_ref, a3_ref,
               w1ht, w1at, nb1, w2t, nb2):
    h = h_ref[...]
    agg = a0_ref[0] + a1_ref[0] + a2_ref[0] + a3_ref[0]
    o1 = _silu(jnp.dot(h, w1ht[...], preferred_element_type=F32)
                     + jnp.dot(agg, w1at[...], preferred_element_type=F32)
                     + nb1[...])
    return h + jnp.dot(o1, w2t[...], preferred_element_type=F32) + nb2[...]


def _node_body(h_ref, a0_ref, a1_ref, a2_ref, a3_ref,
               w1ht, w1at, nb1, w2t, nb2,
               ew1at, ew1bt, eb1, hn_ref, ha_ref, hb_ref):
    hn = _node_core(h_ref, a0_ref, a1_ref, a2_ref, a3_ref,
                    w1ht, w1at, nb1, w2t, nb2)
    hn_ref[...] = hn
    ha_ref[...] = jnp.dot(hn, ew1at[...], preferred_element_type=F32) + eb1[...]
    hb_ref[...] = jnp.dot(hn, ew1bt[...], preferred_element_type=F32)


_AGG_SPECS = [
    pl.BlockSpec((1, BN, D), lambda i: (0, i, 0)),
    pl.BlockSpec((1, BN, D), lambda i: (1, i, 0)),
    pl.BlockSpec((1, BN, D), lambda i: (0, i, 0)),
    pl.BlockSpec((1, BN, D), lambda i: (1, i, 0)),
]


@jax.jit
def _node(h, aggp0, aggp1, w1ht, w1at, nb1, w2t, nb2, ew1at, ew1bt, eb1):
    return pl.pallas_call(
        _node_body,
        grid=(NN // BN,),
        in_specs=[
            pl.BlockSpec((BN, D), lambda i: (i, 0)),
            *_AGG_SPECS,
            _full((D, D)), _full((D, D)), _full((1, D)),
            _full((D, D)), _full((1, D)),
            _full((D, D)), _full((D, D)), _full((1, D)),
        ],
        out_specs=[pl.BlockSpec((BN, D), lambda i: (i, 0))] * 3,
        out_shape=[_sds((NN, D))] * 3,
    )(h, aggp0, aggp0, aggp1, aggp1,
      w1ht, w1at, nb1, w2t, nb2, ew1at, ew1bt, eb1)


def _node_last_body(h_ref, a0_ref, a1_ref, a2_ref, a3_ref,
                    w1ht, w1at, nb1, w2t, nb2,
                    xt_ref, xap_ref, hn_ref, xn_ref):
    hn_ref[...] = _node_core(h_ref, a0_ref, a1_ref, a2_ref, a3_ref,
                             w1ht, w1at, nb1, w2t, nb2)
    xab = xap_ref[...]
    parts = [jnp.sum(xab[c * NW:(c + 1) * NW], axis=0, keepdims=True)
             for c in range(4)]
    cnt = jnp.clip(parts[3], 1.0, None)
    sxyz = jnp.concatenate(
        parts[:3] + [jnp.zeros((5, NN), F32)], axis=0)
    row = lax.broadcasted_iota(jnp.int32, (8, NN), 0)
    xn_ref[...] = xt_ref[...] + jnp.where(row < 3, sxyz / cnt, 0.0)


@jax.jit
def _node_last(h, aggp0, aggp1, w1ht, w1at, nb1, w2t, nb2, xt, xaccp):
    return pl.pallas_call(
        _node_last_body,
        grid=(NN // BN,),
        in_specs=[
            pl.BlockSpec((BN, D), lambda i: (i, 0)),
            *_AGG_SPECS,
            _full((D, D)), _full((D, D)), _full((1, D)),
            _full((D, D)), _full((1, D)),
            _full((8, NN)),
            _full((4 * NW, NN)),
        ],
        out_specs=[pl.BlockSpec((BN, D), lambda i: (i, 0)),
                   _full((8, NN))],
        out_shape=[_sds((NN, D)), _sds((8, NN))],
    )(h, aggp0, aggp0, aggp1, aggp1,
      w1ht, w1at, nb1, w2t, nb2, xt, xaccp)


def kernel(h, x, edges, edge_attr, params):
    row, col = edges[0], edges[1]
    xt = jnp.pad(x.T, ((0, 5), (0, 0)))
    cdp = _prep(x[:, 0], x[:, 1], x[:, 2], row, col, edge_attr)

    def esplit(p):
        w1 = p['e_w1']
        w1e16 = jnp.zeros((16, D), F32).at[3:7].set(w1[:, 2 * D + 1:].T)
        return (w1[:, :D].T, w1[:, D:2 * D].T, w1[:, 2 * D:2 * D + 1].T,
                w1e16, p['e_b1'].reshape(1, D))

    w1at, w1bt, wrt, w1et, eb1 = esplit(params[0])
    ha, hb = _pre(h, w1at, w1bt, eb1)

    cds = (cdp[0], cdp[1])
    gathers = (_gather_h0, _gather_h1)
    scatters = (_scatter_h0, _scatter_h1)

    hn = h
    for i, p in enumerate(params):
        w2t = p['e_w2'].T.astype(jnp.bfloat16)
        eb2 = p['e_b2'].reshape(1, D)
        nw1 = p['n_w1']
        nw1ht, nw1at = nw1[:, :D].T, nw1[:, D:].T
        nb1 = p['n_b1'].reshape(1, D)
        nw2t = p['n_w2'].T
        nb2 = p['n_b2'].reshape(1, D)
        gs = [gathers[hh](ha, hb, row, col) for hh in range(2)]
        if i < len(params) - 1:
            m2s = [_edge(gs[hh], cds[hh], wrt, w1et, w2t, eb2)
                   for hh in range(2)]
            aggps = [scatters[hh](m2s[hh], row) for hh in range(2)]
            w1at, w1bt, wrt, w1et, eb1 = esplit(params[i + 1])
            hn, ha, hb = _node(hn, aggps[0], aggps[1], nw1ht, nw1at, nb1,
                               nw2t, nb2, w1at, w1bt, eb1)
        else:
            cw1t = p['c_w1'].T
            cb1 = p['c_b1'].reshape(1, D)
            cw2 = p['c_w2'].reshape(1, D)
            eouts = [_edge_last(gs[hh], cds[hh], wrt, w1et, w2t, eb2,
                                cw1t, cb1, cw2) for hh in range(2)]
            aggps = [scatters[hh](eouts[hh][0], row) for hh in range(2)]
            xaccp = _scatter_tr(eouts[0][1], eouts[1][1], row)
            hn, xnt = _node_last(hn, aggps[0], aggps[1], nw1ht, nw1at, nb1,
                                 nw2t, nb2, xt, xaccp.reshape(4 * NW, NN))
    return hn, xnt[:3].T

# --- scband reference (transcript-rebuilt; emitter-appended) ---
"""Pipeline reference for scband-egnn-5042291605587 (READ-ONLY COPY).

The authoritative reference and input builder live on the scoring server;
editing this copy changes nothing except your own understanding.
"""

import jax, jax.numpy as jnp
import numpy as np

N = 10000
E = 320000
D = 128
ED = 4
DEPTH = 4


def _silu(v):
    return v * jax.nn.sigmoid(v)


def _linear_params(key, fan_in, fan_out, bias=True, scale=None):
    k1, k2 = jax.random.split(key)
    s = scale if scale is not None else 1.0 / float(np.sqrt(fan_in))
    W = jax.random.uniform(k1, (fan_out, fan_in), minval=-s, maxval=s, dtype=jnp.float32)
    if bias:
        b = jax.random.uniform(k2, (fan_out,), minval=-s, maxval=s, dtype=jnp.float32)
        return W, b
    return (W,)


def make_params(key):
    layers = []
    for i in range(DEPTH):
        key, *ks = jax.random.split(key, 8)
        p = {}
        p['e_w1'], p['e_b1'] = _linear_params(ks[0], 2 * D + 1 + ED, D)
        p['e_w2'], p['e_b2'] = _linear_params(ks[1], D, D)
        p['n_w1'], p['n_b1'] = _linear_params(ks[2], D + D, D)
        p['n_w2'], p['n_b2'] = _linear_params(ks[3], D, D)
        if i == DEPTH - 1:
            p['c_w1'], p['c_b1'] = _linear_params(ks[4], D, D)
            (p['c_w2'],) = _linear_params(ks[5], D, 1, bias=False, scale=0.001)
        layers.append(p)
    return layers


def setup_inputs(seed: int = 0):
    key = jax.random.key(seed)
    k1, k2, k3, k4, k5 = jax.random.split(key, 5)
    h = jax.random.normal(k1, (N, D), dtype=jnp.float32)
    x = jax.random.normal(k2, (N, 3), dtype=jnp.float32)
    edges = jax.random.randint(k3, (2, E), 0, N, dtype=jnp.int32)
    edge_attr = jax.random.normal(k4, (E, ED), dtype=jnp.float32)
    params = make_params(k5)
    return {'h': h, 'x': x, 'edges': edges, 'edge_attr': edge_attr, 'params': params}


def _layer(h, x, row, col, edge_attr, p, update_coords):
    n = h.shape[0]
    # coord2radial (normalize=False)
    coord_diff = x[row] - x[col]
    radial = jnp.sum(coord_diff ** 2, axis=1, keepdims=True)
    # edge_model (attention=False)
    e_in = jnp.concatenate([h[row], h[col], radial, edge_attr], axis=1)
    m = _silu(e_in @ p['e_w1'].T + p['e_b1'])
    m = _silu(m @ p['e_w2'].T + p['e_b2'])
    # coord_model (coords_agg='mean', tanh=False), only when update_coords
    if update_coords:
        t = _silu(m @ p['c_w1'].T + p['c_b1'])
        phi = t @ p['c_w2'].T  # [E, 1], no bias
        trans = coord_diff * phi
        s = jax.ops.segment_sum(trans, row, num_segments=n)
        cnt = jax.ops.segment_sum(jnp.ones((row.shape[0], 1), dtype=trans.dtype), row, num_segments=n)
        x = x + s / jnp.clip(cnt, 1.0, None)
    # node_model (residual=True)
    agg = jax.ops.segment_sum(m, row, num_segments=n)
    n_in = jnp.concatenate([h, agg], axis=1)
    o = _silu(n_in @ p['n_w1'].T + p['n_b1']) @ p['n_w2'].T + p['n_b2']
    h = h + o
    return h, x


def reference(h, x, edges, edge_attr, params):
    row, col = edges[0], edges[1]
    for i, p in enumerate(params):
        h, x = _layer(h, x, row, col, edge_attr, p, i == DEPTH - 1)
    return (h, x)

if __name__ == "__main__":
    import jax
    _d = setup_inputs()
    print(jax.jit(kernel)(*tuple(_d.values())))

</pallas_src>

<mosaic_0001>
#map = affine_map<(d0, d1) -> (0)>
#map1 = affine_map<(d0, d1) -> (0, 0)>
#map2 = affine_map<(d0, d1) -> (0, 0, 0)>
module attributes {stable_mosaic.version = 14 : i64} {
  func.func @_prep_body(%arg0: i32, %arg1: i32, %arg2: memref<10000xf32, #tpu.memory_space<hbm>>, %arg3: memref<10000xf32, #tpu.memory_space<hbm>>, %arg4: memref<10000xf32, #tpu.memory_space<hbm>>, %arg5: memref<320000xi32, #tpu.memory_space<hbm>>, %arg6: memref<320000xi32, #tpu.memory_space<hbm>>, %arg7: memref<320000x4xf32, #tpu.memory_space<hbm>>, %arg8: memref<2x160000x16xf32, #tpu.memory_space<hbm>>, %arg9: memref<10000xf32, #tpu.memory_space<vmem>>, %arg10: memref<10000xf32, #tpu.memory_space<vmem>>, %arg11: memref<10000xf32, #tpu.memory_space<vmem>>, %arg12: memref<80xi32, #tpu.memory_space<vmem>>, %arg13: memref<80xi32, #tpu.memory_space<vmem>>, %arg14: memref<80x4xf32, #tpu.memory_space<vmem>>, %arg15: memref<80x16xf32, #tpu.memory_space<vmem>>, %arg16: memref<80xi32, #tpu.memory_space<vmem>>, %arg17: memref<80xi32, #tpu.memory_space<vmem>>, %arg18: memref<80x4xf32, #tpu.memory_space<vmem>>, %arg19: memref<80x16xf32, #tpu.memory_space<vmem>>, %arg20: memref<!tpu.dma_semaphore, #tpu.memory_space<semaphore_mem>>, %arg21: memref<!tpu.dma_semaphore, #tpu.memory_space<semaphore_mem>>, %arg22: memref<!tpu.dma_semaphore, #tpu.memory_space<semaphore_mem>>, %arg23: memref<!tpu.dma_semaphore, #tpu.memory_space<semaphore_mem>>) attributes {dimension_semantics = [#tpu.dimension_semantics<core_parallel>, #tpu.dimension_semantics<subcore_parallel>], iteration_bounds = array<i64: 2, 16>, scalar_prefetch = 0 : i64, scratch_operands = 15 : i64, tpu.core_type = #tpu.core_type<sc_vector_subcore>, window_params = [{transform_indices = #map}, {transform_indices = #map}, {transform_indices = #map}, {transform_indices = #map}, {transform_indices = #map}, {transform_indices = #map1}, {transform_indices = #map2}]} {
    %mul3A = arith.constant 16 : i32
    %mul3A_0 = arith.muli %arg0, %mul3A : i32
    %add3A = arith.addi %mul3A_0, %arg1 : i32
    %mul3A_1 = arith.constant 10000 : i32
    %mul3A_2 = arith.muli %add3A, %mul3A_1 : i32
    "tpu.region"() ({
      %run_scoped3A = tpu.sem_alloc : memref<!tpu.dma_semaphore, #tpu.memory_space<semaphore_mem>>
      tpu.enqueue_dma source(%arg2 : memref<10000xf32, #tpu.memory_space<hbm>>) target(%arg9 : memref<10000xf32, #tpu.memory_space<vmem>>) target_semaphore(%run_scoped3A : memref<!tpu.dma_semaphore, #tpu.memory_space<semaphore_mem>>)
      tpu.wait_dma2 semaphore(%run_scoped3A : memref<!tpu.dma_semaphore, #tpu.memory_space<semaphore_mem>>) src(%arg2 : memref<10000xf32, #tpu.memory_space<hbm>>) dst(%arg9 : memref<10000xf32, #tpu.memory_space<vmem>>)
      tpu.yield
    }) : () -> ()
    "tpu.region"() ({
      %run_scoped3A = tpu.sem_alloc : memref<!tpu.dma_semaphore, #tpu.memory_space<semaphore_mem>>
      tpu.enqueue_dma source(%arg3 : memref<10000xf32, #tpu.memory_space<hbm>>) target(%arg10 : memref<10000xf32, #tpu.memory_space<vmem>>) target_semaphore(%run_scoped3A : memref<!tpu.dma_semaphore, #tpu.memory_space<semaphore_mem>>)
      tpu.wait_dma2 semaphore(%run_scoped3A : memref<!tpu.dma_semaphore, #tpu.memory_space<semaphore_mem>>) src(%arg3 : memref<10000xf32, #tpu.memory_space<hbm>>) dst(%arg10 : memref<10000xf32, #tpu.memory_space<vmem>>)
      tpu.yield
    }) : () -> ()
    "tpu.region"() ({
      %run_scoped3A = tpu.sem_alloc : memref<!tpu.dma_semaphore, #tpu.memory_space<semaphore_mem>>
      tpu.enqueue_dma source(%arg4 : memref<10000xf32, #tpu.memory_space<hbm>>) target(%arg11 : memref<10000xf32, #tpu.memory_space<vmem>>) target_semaphore(%run_scoped3A : memref<!tpu.dma_semaphore, #tpu.memory_space<semaphore_mem>>)
      tpu.wait_dma2 semaphore(%run_scoped3A : memref<!tpu.dma_semaphore, #tpu.memory_space<semaphore_mem>>) src(%arg4 : memref<10000xf32, #tpu.memory_space<hbm>>) dst(%arg11 : memref<10000xf32, #tpu.memory_space<vmem>>)
      tpu.yield
    }) : () -> ()
    %scan3A = arith.constant 0 : i32
    %scan3A_3 = arith.constant 0 : i32
    %scan3A_4 = arith.constant 80 : i32
    %scan3A_5 = arith.addi %scan3A_3, %scan3A_4 : i32
    %scan3A_6 = arith.constant 1 : i32
    scf.for %scan3A_46 = %scan3A_3 to %scan3A_5 step %scan3A_6  : i32 {
      %broadcast_in_dim3A = arith.constant 0.000000e+00 : f32
      %broadcast_in_dim3A_47 = vector.broadcast %broadcast_in_dim3A : f32 to vector<16xf32>
      %swap3A = arith.index_cast %scan3A_46 : i32 to index
      %swap3A_48 = arith.constant 0 : index
      %swap3A_49 = tpu.vector_load %arg15[%swap3A, %swap3A_48] {strides = array<i32>} : memref<80x16xf32, #tpu.memory_space<vmem>>, vector<16xf32>,
      tpu.vector_store %arg15[%swap3A, %swap3A_48], %broadcast_in_dim3A_47 {strides = array<i32>} : memref<80x16xf32, #tpu.memory_space<vmem>>, vector<16xf32>,
    }
    %scan3A_7 = arith.constant 80 : i32
    %scan3A_8 = arith.constant 0 : i32
    %scan3A_9 = arith.constant 0 : i32
    %scan3A_10 = arith.constant 80 : i32
    %scan3A_11 = arith.addi %scan3A_9, %scan3A_10 : i32
    %scan3A_12 = arith.constant 1 : i32
    scf.for %scan3A_46 = %scan3A_9 to %scan3A_11 step %scan3A_12  : i32 {
      %broadcast_in_dim3A = arith.constant 0.000000e+00 : f32
      %broadcast_in_dim3A_47 = vector.broadcast %broadcast_in_dim3A : f32 to vector<16xf32>
      %swap3A = arith.index_cast %scan3A_46 : i32 to index
      %swap3A_48 = arith.constant 0 : index
      %swap3A_49 = tpu.vector_load %arg19[%swap3A, %swap3A_48] {strides = array<i32>} : memref<80x16xf32, #tpu.memory_space<vmem>>, vector<16xf32>,
      tpu.vector_store %arg19[%swap3A, %swap3A_48], %broadcast_in_dim3A_47 {strides = array<i32>} : memref<80x16xf32, #tpu.memory_space<vmem>>, vector<16xf32>,
    }
    %scan3A_13 = arith.constant 80 : i32
    %iota3A = tpu.iota {dimensions = array<i32: 0>} : vector<16xi32>
    %add3A_14 = arith.constant 0 : i32
    %add3A_15 = arith.addi %mul3A_2, %add3A_14 : i32
    %dma_start3A = tpu.memref_slice %arg5[%add3A_15] : memref<320000xi32, #tpu.memory_space<hbm>> -> memref<80xi32, #tpu.memory_space<hbm>>
    %dma_start3A_16 = tpu.memref_slice %arg5[%add3A_15] : memref<320000xi32, #tpu.memory_space<hbm>> -> memref<80xi32, #tpu.memory_space<hbm>>
    tpu.enqueue_dma source(%dma_start3A_16 : memref<80xi32, #tpu.memory_space<hbm>>) target(%arg12 : memref<80xi32, #tpu.memory_space<vmem>>) target_semaphore(%arg20 : memref<!tpu.dma_semaphore, #tpu.memory_space<semaphore_mem>>)
    %dma_start3A_17 = tpu.memref_slice %arg6[%add3A_15] : memref<320000xi32, #tpu.memory_space<hbm>> -> memref<80xi32, #tpu.memory_space<hbm>>
    %dma_start3A_18 = tpu.memref_slice %arg6[%add3A_15] : memref<320000xi32, #tpu.memory_space<hbm>> -> memref<80xi32, #tpu.memory_space<hbm>>
    tpu.enqueue_dma source(%dma_start3A_18 : memref<80xi32, #tpu.memory_space<hbm>>) target(%arg13 : memref<80xi32, #tpu.memory_space<vmem>>) target_semaphore(%arg20 : memref<!tpu.dma_semaphore, #tpu.memory_space<semaphore_mem>>)
    %dma_start3A_19 = arith.constant 0 : i32
    %dma_start3A_20 = tpu.memref_slice %arg7[%add3A_15, %dma_start3A_19] : memref<320000x4xf32, #tpu.memory_space<hbm>> -> memref<80x4xf32, #tpu.memory_space<hbm>>
    %dma_start3A_21 = arith.constant 0 : i32
    %dma_start3A_22 = tpu.memref_slice %arg7[%add3A_15, %dma_start3A_21] : memref<320000x4xf32, #tpu.memory_space<hbm>> -> memref<80x4xf32, #tpu.memory_space<hbm>>
    tpu.enqueue_dma source(%dma_start3A_22 : memref<80x4xf32, #tpu.memory_space<hbm>>) target(%arg14 : memref<80x4xf32, #tpu.memory_space<vmem>>) target_semaphore(%arg20 : memref<!tpu.dma_semaphore, #tpu.memory_space<semaphore_mem>>)
    %scan3A_23 = arith.constant 0 : i32
    %scan3A_24 = arith.constant 0 : i32
    %scan3A_25 = arith.constant 63 : i32
    %scan3A_26 = arith.addi %scan3A_24, %scan3A_25 : i32
    %scan3A_27 = arith.constant 1 : i32
    scf.for %scan3A_46 = %scan3A_24 to %scan3A_26 step %scan3A_27  : i32 {
      %mul3A_47 = arith.constant 2 : i32
      %mul3A_48 = arith.muli %mul3A_47, %scan3A_46 : i32
      %add3A_49 = arith.constant 0 : i32
      %add3A_50 = arith.addi %mul3A_48, %add3A_49 : i32
      %add3A_51 = arith.constant 1 : i32
      %add3A_52 = arith.addi %add3A_50, %add3A_51 : i32
      %lt3A = arith.constant 125 : i32
      %lt3A_53 = arith.cmpi slt, %add3A_52, %lt3A : i32
      %convert_element_type3A = arith.extui %lt3A_53 : i1 to i32
      %cond3A = arith.constant 0 : i32
      %cond3A_54 = arith.cmpi ne, %convert_element_type3A, %cond3A : i32
      scf.if %cond3A_54 {
        %add3A_76 = arith.constant 1 : i32
        %add3A_77 = arith.addi %add3A_50, %add3A_76 : i32
        %mul3A_78 = arith.constant 80 : i32
        %mul3A_79 = arith.muli %add3A_77, %mul3A_78 : i32
        %add3A_80 = arith.addi %mul3A_2, %mul3A_79 : i32
        %dma_start3A_81 = tpu.memref_slice %arg5[%add3A_80] : memref<320000xi32, #tpu.memory_space<hbm>> -> memref<80xi32, #tpu.memory_space<hbm>>
        %dma_start3A_82 = tpu.memref_slice %arg5[%add3A_80] : memref<320000xi32, #tpu.memory_space<hbm>> -> memref<80xi32, #tpu.memory_space<hbm>>
        tpu.enqueue_dma source(%dma_start3A_82 : memref<80xi32, #tpu.memory_space<hbm>>) target(%arg16 : memref<80xi32, #tpu.memory_space<vmem>>) target_semaphore(%arg21 : memref<!tpu.dma_semaphore, #tpu.memory_space<semaphore_mem>>)
        %dma_start3A_83 = tpu.memref_slice %arg6[%add3A_80] : memref<320000xi32, #tpu.memory_space<hbm>> -> memref<80xi32, #tpu.memory_space<hbm>>
        %dma_start3A_84 = tpu.memref_slice %arg6[%add3A_80] : memref<320000xi32, #tpu.memory_space<hbm>> -> memref<80xi32, #tpu.memory_space<hbm>>
        tpu.enqueue_dma source(%dma_start3A_84 : memref<80xi32, #tpu.memory_space<hbm>>) target(%arg17 : memref<80xi32, #tpu.memory_space<vmem>>) target_semaphore(%arg21 : memref<!tpu.dma_semaphore, #tpu.memory_space<semaphore_mem>>)
        %dma_start3A_85 = arith.constant 0 : i32
        %dma_start3A_86 = tpu.memref_slice %arg7[%add3A_80, %dma_start3A_85] : memref<320000x4xf32, #tpu.memory_space<hbm>> -> memref<80x4xf32, #tpu.memory_space<hbm>>
        %dma_start3A_87 = arith.constant 0 : i32
        %dma_start3A_88 = tpu.memref_slice %arg7[%add3A_80, %dma_start3A_87] : memref<320000x4xf32, #tpu.memory_space<hbm>> -> memref<80x4xf32, #tpu.memory_space<hbm>>
        tpu.enqueue_dma source(%dma_start3A_88 : memref<80x4xf32, #tpu.memory_space<hbm>>) target(%arg18 : memref<80x4xf32, #tpu.memory_space<vmem>>) target_semaphore(%arg21 : memref<!tpu.dma_semaphore, #tpu.memory_space<semaphore_mem>>)
      } else {
      }
      %lt3A_55 = arith.constant 125 : i32
      %lt3A_56 = arith.cmpi slt, %add3A_50, %lt3A_55 : i32
      %convert_element_type3A_57 = arith.extui %lt3A_56 : i1 to i32
      %cond3A_58 = arith.constant 0 : i32
      %cond3A_59 = arith.cmpi ne, %convert_element_type3A_57, %cond3A_58 : i32
      scf.if %cond3A_59 {
        %dma_wait3A_76 = arith.constant 0 : i32
        %dma_wait3A_77 = tpu.memref_slice %arg5[%dma_wait3A_76] : memref<320000xi32, #tpu.memory_space<hbm>> -> memref<80xi32, #tpu.memory_space<hbm>>
        %dma_wait3A_78 = arith.constant 0 : i32
        %dma_wait3A_79 = tpu.memref_slice %arg5[%dma_wait3A_78] : memref<320000xi32, #tpu.memory_space<hbm>> -> memref<80xi32, #tpu.memory_space<hbm>>
        tpu.wait_dma2 semaphore(%arg20 : memref<!tpu.dma_semaphore, #tpu.memory_space<semaphore_mem>>) src(%dma_wait3A_79 : memref<80xi32, #tpu.memory_space<hbm>>) dst(%arg12 : memref<80xi32, #tpu.memory_space<vmem>>)
        %dma_wait3A_80 = arith.constant 0 : i32
        %dma_wait3A_81 = tpu.memref_slice %arg5[%dma_wait3A_80] : memref<320000xi32, #tpu.memory_space<hbm>> -> memref<80xi32, #tpu.memory_space<hbm>>
        %dma_wait3A_82 = arith.constant 0 : i32
        %dma_wait3A_83 = tpu.memref_slice %arg5[%dma_wait3A_82] : memref<320000xi32, #tpu.memory_space<hbm>> -> memref<80xi32, #tpu.memory_space<hbm>>
        tpu.wait_dma2 semaphore(%arg20 : memref<!tpu.dma_semaphore, #tpu.memory_space<semaphore_mem>>) src(%dma_wait3A_83 : memref<80xi32, #tpu.memory_space<hbm>>) dst(%arg13 : memref<80xi32, #tpu.memory_space<vmem>>)
        %dma_wait3A_84 = arith.constant 0 : i32
        %dma_wait3A_85 = arith.constant 0 : i32
        %dma_wait3A_86 = tpu.memref_slice %arg7[%dma_wait3A_84, %dma_wait3A_85] : memref<320000x4xf32, #tpu.memory_space<hbm>> -> memref<80x4xf32, #tpu.memory_space<hbm>>
        %dma_wait3A_87 = arith.constant 0 : i32
        %dma_wait3A_88 = arith.constant 0 : i32
        %dma_wait3A_89 = tpu.memref_slice %arg7[%dma_wait3A_87, %dma_wait3A_88] : memref<320000x4xf32, #tpu.memory_space<hbm>> -> memref<80x4xf32, #tpu.memory_space<hbm>>
        tpu.wait_dma2 semaphore(%arg20 : memref<!tpu.dma_semaphore, #tpu.memory_space<semaphore_mem>>) src(%dma_wait3A_89 : memref<80x4xf32, #tpu.memory_space<hbm>>) dst(%arg14 : memref<80x4xf32, #tpu.memory_space<vmem>>)
        %ge3A = arith.constant 2 : i32
        %ge3A_90 = arith.cmpi sge, %add3A_50, %ge3A : i32
        %convert_element_type3A_91 = arith.extui %ge3A_90 : i1 to i32
        %cond3A_92 = arith.constant 0 : i32
        %cond3A_93 = arith.cmpi ne, %convert_element_type3A_91, %cond3A_92 : i32
        scf.if %cond3A_93 {
          %dma_wait3A_111 = arith.constant 0 : i32
          %dma_wait3A_112 = arith.constant 0 : i32
          %dma_wait3A_113 = arith.constant 0 : i32
          %dma_wait3A_114 = tpu.memref_slice %arg8[%dma_wait3A_111, %dma_wait3A_112, %dma_wait3A_113] : memref<2x160000x16xf32, #tpu.memory_space<hbm>> -> memref<1x80x16xf32, #tpu.memory_space<hbm>>
          %dma_wait3A_115 = tpu.memref_squeeze %dma_wait3A_114 : memref<1x80x16xf32, #tpu.memory_space<hbm>> -> memref<80x16xf32, #tpu.memory_space<hbm>>
          %dma_wait3A_116 = arith.constant 0 : i32
          %dma_wait3A_117 = arith.constant 0 : i32
          %dma_wait3A_118 = tpu.memref_slice %arg8[%dma_wait3A_111, %dma_wait3A_116, %dma_wait3A_117] : memref<2x160000x16xf32, #tpu.memory_space<hbm>> -> memref<1x80x16xf32, #tpu.memory_space<hbm>>
          %dma_wait3A_119 = tpu.memref_squeeze %dma_wait3A_118 : memref<1x80x16xf32, #tpu.memory_space<hbm>> -> memref<80x16xf32, #tpu.memory_space<hbm>>
          tpu.wait_dma2 semaphore(%arg22 : memref<!tpu.dma_semaphore, #tpu.memory_space<semaphore_mem>>) src(%arg15 : memref<80x16xf32, #tpu.memory_space<vmem>>) dst(%dma_wait3A_119 : memref<80x16xf32, #tpu.memory_space<hbm>>)
        } else {
        }
        %scan3A_94 = arith.constant 0 : i32
        %scan3A_95 = arith.constant 0 : i32
        %scan3A_96 = arith.constant 5 : i32
        %scan3A_97 = arith.addi %scan3A_95, %scan3A_96 : i32
        %scan3A_98 = arith.constant 1 : i32
        scf.for %scan3A_111 = %scan3A_95 to %scan3A_97 step %scan3A_98  : i32 {
          %mul3A_112 = arith.constant 16 : i32
          %mul3A_113 = arith.muli %scan3A_111, %mul3A_112 : i32
          %get3A = arith.index_cast %mul3A_113 : i32 to index
          %get3A_114 = tpu.vector_load %arg12[%get3A] {strides = array<i32>} : memref<80xi32, #tpu.memory_space<vmem>>, vector<16xi32>,
          %mul3A_115 = arith.constant 16 : i32
          %mul3A_116 = arith.muli %scan3A_111, %mul3A_115 : i32
          %get3A_117 = arith.index_cast %mul3A_116 : i32 to index
          %get3A_118 = tpu.vector_load %arg13[%get3A_117] {strides = array<i32>} : memref<80xi32, #tpu.memory_space<vmem>>, vector<16xi32>,
          %mul3A_119 = arith.constant 16 : i32
          %mul3A_120 = arith.muli %scan3A_111, %mul3A_119 : i32
          %add3A_121 = vector.broadcast %mul3A_120 : i32 to vector<16xi32>
          %add3A_122 = arith.addi %add3A_121, %iota3A : vector<16xi32>
          %gather3A = tpu.vector_load_idx %arg9[%get3A_114] : memref<10000xf32, #tpu.memory_space<vmem>>[vector<16xi32>], vector<16xf32>,
          %gather3A_123 = tpu.vector_load_idx %arg9[%get3A_118] : memref<10000xf32, #tpu.memory_space<vmem>>[vector<16xi32>], vector<16xf32>,
          %sub3A = arith.subf %gather3A, %gather3A_123 : vector<16xf32>
          %broadcast_in_dim3A = arith.constant 0 : i32
          %broadcast_in_dim3A_124 = vector.broadcast %broadcast_in_dim3A : i32 to vector<16xi32>
          tpu.vector_store_idx %arg15[%add3A_122, %broadcast_in_dim3A_124], %sub3A : memref<80x16xf32, #tpu.memory_space<vmem>>[vector<16xi32>, vector<16xi32>], vector<16xf32>,
          %gather3A_125 = tpu.vector_load_idx %arg10[%get3A_114] : memref<10000xf32, #tpu.memory_space<vmem>>[vector<16xi32>], vector<16xf32>,
          %gather3A_126 = tpu.vector_load_idx %arg10[%get3A_118] : memref<10000xf32, #tpu.memory_space<vmem>>[vector<16xi32>], vector<16xf32>,
          %sub3A_127 = arith.subf %gather3A_125, %gather3A_126 : vector<16xf32>
          %broadcast_in_dim3A_128 = arith.constant 1 : i32
          %broadcast_in_dim3A_129 = vector.broadcast %broadcast_in_dim3A_128 : i32 to vector<16xi32>
          tpu.vector_store_idx %arg15[%add3A_122, %broadcast_in_dim3A_129], %sub3A_127 : memref<80x16xf32, #tpu.memory_space<vmem>>[vector<16xi32>, vector<16xi32>], vector<16xf32>,
          %gather3A_130 = tpu.vector_load_idx %arg11[%get3A_114] : memref<10000xf32, #tpu.memory_space<vmem>>[vector<16xi32>], vector<16xf32>,
          %gather3A_131 = tpu.vector_load_idx %arg11[%get3A_118] : memref<10000xf32, #tpu.memory_space<vmem>>[vector<16xi32>], vector<16xf32>,
          %sub3A_132 = arith.subf %gather3A_130, %gather3A_131 : vector<16xf32>
          %broadcast_in_dim3A_133 = arith.constant 2 : i32
          %broadcast_in_dim3A_134 = vector.broadcast %broadcast_in_dim3A_133 : i32 to vector<16xi32>
          tpu.vector_store_idx %arg15[%add3A_122, %broadcast_in_dim3A_134], %sub3A_132 : memref<80x16xf32, #tpu.memory_space<vmem>>[vector<16xi32>, vector<16xi32>], vector<16xf32>,
          %broadcast_in_dim3A_135 = arith.constant 0 : i32
          %broadcast_in_dim3A_136 = vector.broadcast %broadcast_in_dim3A_135 : i32 to vector<16xi32>
          %gather3A_137 = tpu.vector_load_idx %arg14[%add3A_122, %broadcast_in_dim3A_136] : memref<80x4xf32, #tpu.memory_space<vmem>>[vector<16xi32>, vector<16xi32>], vector<16xf32>,
          %broadcast_in_dim3A_138 = arith.constant 3 : i32
          %broadcast_in_dim3A_139 = vector.broadcast %broadcast_in_dim3A_138 : i32 to vector<16xi32>
          tpu.vector_store_idx %arg15[%add3A_122, %broadcast_in_dim3A_139], %gather3A_137 : memref<80x16xf32, #tpu.memory_space<vmem>>[vector<16xi32>, vector<16xi32>], vector<16xf32>,
          %broadcast_in_dim3A_140 = arith.constant 1 : i32
          %broadcast_in_dim3A_141 = vector.broadcast %broadcast_in_dim3A_140 : i32 to vector<16xi32>
          %gather3A_142 = tpu.vector_load_idx %arg14[%add3A_122, %broadcast_in_dim3A_141] : memref<80x4xf32, #tpu.memory_space<vmem>>[vector<16xi32>, vector<16xi32>], vector<16xf32>,
          %broadcast_in_dim3A_143 = arith.constant 4 : i32
          %broadcast_in_dim3A_144 = vector.broadcast %broadcast_in_dim3A_143 : i32 to vector<16xi32>
          tpu.vector_store_idx %arg15[%add3A_122, %broadcast_in_dim3A_144], %gather3A_142 : memref<80x16xf32, #tpu.memory_space<vmem>>[vector<16xi32>, vector<16xi32>], vector<16xf32>,
          %broadcast_in_dim3A_145 = arith.constant 2 : i32
          %broadcast_in_dim3A_146 = vector.broadcast %broadcast_in_dim3A_145 : i32 to vector<16xi32>
          %gather3A_147 = tpu.vector_load_idx %arg14[%add3A_122, %broadcast_in_dim3A_146] : memref<80x4xf32, #tpu.memory_space<vmem>>[vector<16xi32>, vector<16xi32>], vector<16xf32>,
          %broadcast_in_dim3A_148 = arith.constant 5 : i32
          %broadcast_in_dim3A_149 = vector.broadcast %broadcast_in_dim3A_148 : i32 to vector<16xi32>
          tpu.vector_store_idx %arg15[%add3A_122, %broadcast_in_dim3A_149], %gather3A_147 : memref<80x16xf32, #tpu.memory_space<vmem>>[vector<16xi32>, vector<16xi32>], vector<16xf32>,
          %broadcast_in_dim3A_150 = arith.constant 3 : i32
          %broadcast_in_dim3A_151 = vector.broadcast %broadcast_in_dim3A_150 : i32 to vector<16xi32>
          %gather3A_152 = tpu.vector_load_idx %arg14[%add3A_122, %broadcast_in_dim3A_151] : memref<80x4xf32, #tpu.memory_space<vmem>>[vector<16xi32>, vector<16xi32>], vector<16xf32>,
          %broadcast_in_dim3A_153 = arith.constant 6 : i32
          %broadcast_in_dim3A_154 = vector.broadcast %broadcast_in_dim3A_153 : i32 to vector<16xi32>
          tpu.vector_store_idx %arg15[%add3A_122, %broadcast_in_dim3A_154], %gather3A_152 : memref<80x16xf32, #tpu.memory_space<vmem>>[vector<16xi32>, vector<16xi32>], vector<16xf32>,
        }
        %scan3A_99 = arith.constant 5 : i32
        %mul3A_100 = arith.constant 10000 : i32
        %mul3A_101 = arith.muli %arg1, %mul3A_100 : i32
        %mul3A_102 = arith.constant 80 : i32
        %mul3A_103 = arith.muli %add3A_50, %mul3A_102 : i32
        %add3A_104 = arith.addi %mul3A_101, %mul3A_103 : i32
        %dma_start3A_105 = arith.constant 0 : i32
        %dma_start3A_106 = tpu.memref_slice %arg8[%arg0, %add3A_104, %dma_start3A_105] : memref<2x160000x16xf32, #tpu.memory_space<hbm>> -> memref<1x80x16xf32, #tpu.memory_space<hbm>>
        %dma_start3A_107 = tpu.memref_squeeze %dma_start3A_106 : memref<1x80x16xf32, #tpu.memory_space<hbm>> -> memref<80x16xf32, #tpu.memory_space<hbm>>
        %dma_start3A_108 = arith.constant 0 : i32
        %dma_start3A_109 = tpu.memref_slice %arg8[%arg0, %add3A_104, %dma_start3A_108] : memref<2x160000x16xf32, #tpu.memory_space<hbm>> -> memref<1x80x16xf32, #tpu.memory_space<hbm>>
        %dma_start3A_110 = tpu.memref_squeeze %dma_start3A_109 : memref<1x80x16xf32, #tpu.memory_space<hbm>> -> memref<80x16xf32, #tpu.memory_space<hbm>>
        tpu.enqueue_dma source(%arg15 : memref<80x16xf32, #tpu.memory_space<vmem>>) target(%dma_start3A_110 : memref<80x16xf32, #tpu.memory_space<hbm>>) target_semaphore(%arg22 : memref<!tpu.dma_semaphore, #tpu.memory_space<semaphore_mem>>)
      } else {
      }
      %mul3A_60 = arith.constant 2 : i32
      %mul3A_61 = arith.muli %mul3A_60, %scan3A_46 : i32
      %add3A_62 = arith.constant 1 : i32
      %add3A_63 = arith.addi %mul3A_61, %add3A_62 : i32
      %add3A_64 = arith.constant 1 : i32
      %add3A_65 = arith.addi %add3A_63, %add3A_64 : i32
      %lt3A_66 = arith.constant 125 : i32
      %lt3A_67 = arith.cmpi slt, %add3A_65, %lt3A_66 : i32
      %convert_element_type3A_68 = arith.extui %lt3A_67 : i1 to i32
      %cond3A_69 = arith.constant 0 : i32
      %cond3A_70 = arith.cmpi ne, %convert_element_type3A_68, %cond3A_69 : i32
      scf.if %cond3A_70 {
        %add3A_76 = arith.constant 1 : i32
        %add3A_77 = arith.addi %add3A_63, %add3A_76 : i32
        %mul3A_78 = arith.constant 80 : i32
        %mul3A_79 = arith.muli %add3A_77, %mul3A_78 : i32
        %add3A_80 = arith.addi %mul3A_2, %mul3A_79 : i32
        %dma_start3A_81 = tpu.memref_slice %arg5[%add3A_80] : memref<320000xi32, #tpu.memory_space<hbm>> -> memref<80xi32, #tpu.memory_space<hbm>>
        %dma_start3A_82 = tpu.memref_slice %arg5[%add3A_80] : memref<320000xi32, #tpu.memory_space<hbm>> -> memref<80xi32, #tpu.memory_space<hbm>>
        tpu.enqueue_dma source(%dma_start3A_82 : memref<80xi32, #tpu.memory_space<hbm>>) target(%arg12 : memref<80xi32, #tpu.memory_space<vmem>>) target_semaphore(%arg20 : memref<!tpu.dma_semaphore, #tpu.memory_space<semaphore_mem>>)
        %dma_start3A_83 = tpu.memref_slice %arg6[%add3A_80] : memref<320000xi32, #tpu.memory_space<hbm>> -> memref<80xi32, #tpu.memory_space<hbm>>
        %dma_start3A_84 = tpu.memref_slice %arg6[%add3A_80] : memref<320000xi32, #tpu.memory_space<hbm>> -> memref<80xi32, #tpu.memory_space<hbm>>
        tpu.enqueue_dma source(%dma_start3A_84 : memref<80xi32, #tpu.memory_space<hbm>>) target(%arg13 : memref<80xi32, #tpu.memory_space<vmem>>) target_semaphore(%arg20 : memref<!tpu.dma_semaphore, #tpu.memory_space<semaphore_mem>>)
        %dma_start3A_85 = arith.constant 0 : i32
        %dma_start3A_86 = tpu.memref_slice %arg7[%add3A_80, %dma_start3A_85] : memref<320000x4xf32, #tpu.memory_space<hbm>> -> memref<80x4xf32, #tpu.memory_space<hbm>>
        %dma_start3A_87 = arith.constant 0 : i32
        %dma_start3A_88 = tpu.memref_slice %arg7[%add3A_80, %dma_start3A_87] : memref<320000x4xf32, #tpu.memory_space<hbm>> -> memref<80x4xf32, #tpu.memory_space<hbm>>
        tpu.enqueue_dma source(%dma_start3A_88 : memref<80x4xf32, #tpu.memory_space<hbm>>) target(%arg14 : memref<80x4xf32, #tpu.memory_space<vmem>>) target_semaphore(%arg20 : memref<!tpu.dma_semaphore, #tpu.memory_space<semaphore_mem>>)
      } else {
      }
      %lt3A_71 = arith.constant 125 : i32
      %lt3A_72 = arith.cmpi slt, %add3A_63, %lt3A_71 : i32
      %convert_element_type3A_73 = arith.extui %lt3A_72 : i1 to i32
      %cond3A_74 = arith.constant 0 : i32
      %cond3A_75 = arith.cmpi ne, %convert_element_type3A_73, %cond3A_74 : i32
      scf.if %cond3A_75 {
        %dma_wait3A_76 = arith.constant 0 : i32
        %dma_wait3A_77 = tpu.memref_slice %arg5[%dma_wait3A_76] : memref<320000xi32, #tpu.memory_space<hbm>> -> memref<80xi32, #tpu.memory_space<hbm>>
        %dma_wait3A_78 = arith.constant 0 : i32
        %dma_wait3A_79 = tpu.memref_slice %arg5[%dma_wait3A_78] : memref<320000xi32, #tpu.memory_space<hbm>> -> memref<80xi32, #tpu.memory_space<hbm>>
        tpu.wait_dma2 semaphore(%arg21 : memref<!tpu.dma_semaphore, #tpu.memory_space<semaphore_mem>>) src(%dma_wait3A_79 : memref<80xi32, #tpu.memory_space<hbm>>) dst(%arg16 : memref<80xi32, #tpu.memory_space<vmem>>)
        %dma_wait3A_80 = arith.constant 0 : i32
        %dma_wait3A_81 = tpu.memref_slice %arg5[%dma_wait3A_80] : memref<320000xi32, #tpu.memory_space<hbm>> -> memref<80xi32, #tpu.memory_space<hbm>>
        %dma_wait3A_82 = arith.constant 0 : i32
        %dma_wait3A_83 = tpu.memref_slice %arg5[%dma_wait3A_82] : memref<320000xi32, #tpu.memory_space<hbm>> -> memref<80xi32, #tpu.memory_space<hbm>>
        tpu.wait_dma2 semaphore(%arg21 : memref<!tpu.dma_semaphore, #tpu.memory_space<semaphore_mem>>) src(%dma_wait3A_83 : memref<80xi32, #tpu.memory_space<hbm>>) dst(%arg17 : memref<80xi32, #tpu.memory_space<vmem>>)
        %dma_wait3A_84 = arith.constant 0 : i32
        %dma_wait3A_85 = arith.constant 0 : i32
        %dma_wait3A_86 = tpu.memref_slice %arg7[%dma_wait3A_84, %dma_wait3A_85] : memref<320000x4xf32, #tpu.memory_space<hbm>> -> memref<80x4xf32, #tpu.memory_space<hbm>>
        %dma_wait3A_87 = arith.constant 0 : i32
        %dma_wait3A_88 = arith.constant 0 : i32
        %dma_wait3A_89 = tpu.memref_slice %arg7[%dma_wait3A_87, %dma_wait3A_88] : memref<320000x4xf32, #tpu.memory_space<hbm>> -> memref<80x4xf32, #tpu.memory_space<hbm>>
        tpu.wait_dma2 semaphore(%arg21 : memref<!tpu.dma_semaphore, #tpu.memory_space<semaphore_mem>>) src(%dma_wait3A_89 : memref<80x4xf32, #tpu.memory_space<hbm>>) dst(%arg18 : memref<80x4xf32, #tpu.memory_space<vmem>>)
        %ge3A = arith.constant 2 : i32
        %ge3A_90 = arith.cmpi sge, %add3A_63, %ge3A : i32
        %convert_element_type3A_91 = arith.extui %ge3A_90 : i1 to i32
        %cond3A_92 = arith.constant 0 : i32
        %cond3A_93 = arith.cmpi ne, %convert_element_type3A_91, %cond3A_92 : i32
        scf.if %cond3A_93 {
          %dma_wait3A_111 = arith.constant 0 : i32
          %dma_wait3A_112 = arith.constant 0 : i32
          %dma_wait3A_113 = arith.constant 0 : i32
          %dma_wait3A_114 = tpu.memref_slice %arg8[%dma_wait3A_111, %dma_wait3A_112, %dma_wait3A_113] : memref<2x160000x16xf32, #tpu.memory_space<hbm>> -> memref<1x80x16xf32, #tpu.memory_space<hbm>>
          %dma_wait3A_115 = tpu.memref_squeeze %dma_wait3A_114 : memref<1x80x16xf32, #tpu.memory_space<hbm>> -> memref<80x16xf32, #tpu.memory_space<hbm>>
          %dma_wait3A_116 = arith.constant 0 : i32
          %dma_wait3A_117 = arith.constant 0 : i32
          %dma_wait3A_118 = tpu.memref_slice %arg8[%dma_wait3A_111, %dma_wait3A_116, %dma_wait3A_117] : memref<2x160000x16xf32, #tpu.memory_space<hbm>> -> memref<1x80x16xf32, #tpu.memory_space<hbm>>
          %dma_wait3A_119 = tpu.memref_squeeze %dma_wait3A_118 : memref<1x80x16xf32, #tpu.memory_space<hbm>> -> memref<80x16xf32, #tpu.memory_space<hbm>>
          tpu.wait_dma2 semaphore(%arg23 : memref<!tpu.dma_semaphore, #tpu.memory_space<semaphore_mem>>) src(%arg19 : memref<80x16xf32, #tpu.memory_space<vmem>>) dst(%dma_wait3A_119 : memref<80x16xf32, #tpu.memory_space<hbm>>)
        } else {
        }
        %scan3A_94 = arith.constant 0 : i32
        %scan3A_95 = arith.constant 0 : i32
        %scan3A_96 = arith.constant 5 : i32
        %scan3A_97 = arith.addi %scan3A_95, %scan3A_96 : i32
        %scan3A_98 = arith.constant 1 : i32
        scf.for %scan3A_111 = %scan3A_95 to %scan3A_97 step %scan3A_98  : i32 {
          %mul3A_112 = arith.constant 16 : i32
          %mul3A_113 = arith.muli %scan3A_111, %mul3A_112 : i32
          %get3A = arith.index_cast %mul3A_113 : i32 to index
          %get3A_114 = tpu.vector_load %arg16[%get3A] {strides = array<i32>} : memref<80xi32, #tpu.memory_space<vmem>>, vector<16xi32>,
          %mul3A_115 = arith.constant 16 : i32
          %mul3A_116 = arith.muli %scan3A_111, %mul3A_115 : i32
          %get3A_117 = arith.index_cast %mul3A_116 : i32 to index
          %get3A_118 = tpu.vector_load %arg17[%get3A_117] {strides = array<i32>} : memref<80xi32, #tpu.memory_space<vmem>>, vector<16xi32>,
          %mul3A_119 = arith.constant 16 : i32
          %mul3A_120 = arith.muli %scan3A_111, %mul3A_119 : i32
          %add3A_121 = vector.broadcast %mul3A_120 : i32 to vector<16xi32>
          %add3A_122 = arith.addi %add3A_121, %iota3A : vector<16xi32>
          %gather3A = tpu.vector_load_idx %arg9[%get3A_114] : memref<10000xf32, #tpu.memory_space<vmem>>[vector<16xi32>], vector<16xf32>,
          %gather3A_123 = tpu.vector_load_idx %arg9[%get3A_118] : memref<10000xf32, #tpu.memory_space<vmem>>[vector<16xi32>], vector<16xf32>,
          %sub3A = arith.subf %gather3A, %gather3A_123 : vector<16xf32>
          %broadcast_in_dim3A = arith.constant 0 : i32
          %broadcast_in_dim3A_124 = vector.broadcast %broadcast_in_dim3A : i32 to vector<16xi32>
          tpu.vector_store_idx %arg19[%add3A_122, %broadcast_in_dim3A_124], %sub3A : memref<80x16xf32, #tpu.memory_space<vmem>>[vector<16xi32>, vector<16xi32>], vector<16xf32>,
          %gather3A_125 = tpu.vector_load_idx %arg10[%get3A_114] : memref<10000xf32, #tpu.memory_space<vmem>>[vector<16xi32>], vector<16xf32>,
          %gather3A_126 = tpu.vector_load_idx %arg10[%get3A_118] : memref<10000xf32, #tpu.memory_space<vmem>>[vector<16xi32>], vector<16xf32>,
          %sub3A_127 = arith.subf %gather3A_125, %gather3A_126 : vector<16xf32>
          %broadcast_in_dim3A_128 = arith.constant 1 : i32
          %broadcast_in_dim3A_129 = vector.broadcast %broadcast_in_dim3A_128 : i32 to vector<16xi32>
          tpu.vector_store_idx %arg19[%add3A_122, %broadcast_in_dim3A_129], %sub3A_127 : memref<80x16xf32, #tpu.memory_space<vmem>>[vector<16xi32>, vector<16xi32>], vector<16xf32>,
          %gather3A_130 = tpu.vector_load_idx %arg11[%get3A_114] : memref<10000xf32, #tpu.memory_space<vmem>>[vector<16xi32>], vector<16xf32>,
          %gather3A_131 = tpu.vector_load_idx %arg11[%get3A_118] : memref<10000xf32, #tpu.memory_space<vmem>>[vector<16xi32>], vector<16xf32>,
          %sub3A_132 = arith.subf %gather3A_130, %gather3A_131 : vector<16xf32>
          %broadcast_in_dim3A_133 = arith.constant 2 : i32
          %broadcast_in_dim3A_134 = vector.broadcast %broadcast_in_dim3A_133 : i32 to vector<16xi32>
          tpu.vector_store_idx %arg19[%add3A_122, %broadcast_in_dim3A_134], %sub3A_132 : memref<80x16xf32, #tpu.memory_space<vmem>>[vector<16xi32>, vector<16xi32>], vector<16xf32>,
          %broadcast_in_dim3A_135 = arith.constant 0 : i32
          %broadcast_in_dim3A_136 = vector.broadcast %broadcast_in_dim3A_135 : i32 to vector<16xi32>
          %gather3A_137 = tpu.vector_load_idx %arg18[%add3A_122, %broadcast_in_dim3A_136] : memref<80x4xf32, #tpu.memory_space<vmem>>[vector<16xi32>, vector<16xi32>], vector<16xf32>,
          %broadcast_in_dim3A_138 = arith.constant 3 : i32
          %broadcast_in_dim3A_139 = vector.broadcast %broadcast_in_dim3A_138 : i32 to vector<16xi32>
          tpu.vector_store_idx %arg19[%add3A_122, %broadcast_in_dim3A_139], %gather3A_137 : memref<80x16xf32, #tpu.memory_space<vmem>>[vector<16xi32>, vector<16xi32>], vector<16xf32>,
          %broadcast_in_dim3A_140 = arith.constant 1 : i32
          %broadcast_in_dim3A_141 = vector.broadcast %broadcast_in_dim3A_140 : i32 to vector<16xi32>
          %gather3A_142 = tpu.vector_load_idx %arg18[%add3A_122, %broadcast_in_dim3A_141] : memref<80x4xf32, #tpu.memory_space<vmem>>[vector<16xi32>, vector<16xi32>], vector<16xf32>,
          %broadcast_in_dim3A_143 = arith.constant 4 : i32
          %broadcast_in_dim3A_144 = vector.broadcast %broadcast_in_dim3A_143 : i32 to vector<16xi32>
          tpu.vector_store_idx %arg19[%add3A_122, %broadcast_in_dim3A_144], %gather3A_142 : memref<80x16xf32, #tpu.memory_space<vmem>>[vector<16xi32>, vector<16xi32>], vector<16xf32>,
          %broadcast_in_dim3A_145 = arith.constant 2 : i32
          %broadcast_in_dim3A_146 = vector.broadcast %broadcast_in_dim3A_145 : i32 to vector<16xi32>
          %gather3A_147 = tpu.vector_load_idx %arg18[%add3A_122, %broadcast_in_dim3A_146] : memref<80x4xf32, #tpu.memory_space<vmem>>[vector<16xi32>, vector<16xi32>], vector<16xf32>,
          %broadcast_in_dim3A_148 = arith.constant 5 : i32
          %broadcast_in_dim3A_149 = vector.broadcast %broadcast_in_dim3A_148 : i32 to vector<16xi32>
          tpu.vector_store_idx %arg19[%add3A_122, %broadcast_in_dim3A_149], %gather3A_147 : memref<80x16xf32, #tpu.memory_space<vmem>>[vector<16xi32>, vector<16xi32>], vector<16xf32>,
          %broadcast_in_dim3A_150 = arith.constant 3 : i32
          %broadcast_in_dim3A_151 = vector.broadcast %broadcast_in_dim3A_150 : i32 to vector<16xi32>
          %gather3A_152 = tpu.vector_load_idx %arg18[%add3A_122, %broadcast_in_dim3A_151] : memref<80x4xf32, #tpu.memory_space<vmem>>[vector<16xi32>, vector<16xi32>], vector<16xf32>,
          %broadcast_in_dim3A_153 = arith.constant 6 : i32
          %broadcast_in_dim3A_154 = vector.broadcast %broadcast_in_dim3A_153 : i32 to vector<16xi32>
          tpu.vector_store_idx %arg19[%add3A_122, %broadcast_in_dim3A_154], %gather3A_152 : memref<80x16xf32, #tpu.memory_space<vmem>>[vector<16xi32>, vector<16xi32>], vector<16xf32>,
        }
        %scan3A_99 = arith.constant 5 : i32
        %mul3A_100 = arith.constant 10000 : i32
        %mul3A_101 = arith.muli %arg1, %mul3A_100 : i32
        %mul3A_102 = arith.constant 80 : i32
        %mul3A_103 = arith.muli %add3A_63, %mul3A_102 : i32
        %add3A_104 = arith.addi %mul3A_101, %mul3A_103 : i32
        %dma_start3A_105 = arith.constant 0 : i32
        %dma_start3A_106 = tpu.memref_slice %arg8[%arg0, %add3A_104, %dma_start3A_105] : memref<2x160000x16xf32, #tpu.memory_space<hbm>> -> memref<1x80x16xf32, #tpu.memory_space<hbm>>
        %dma_start3A_107 = tpu.memref_squeeze %dma_start3A_106 : memref<1x80x16xf32, #tpu.memory_space<hbm>> -> memref<80x16xf32, #tpu.memory_space<hbm>>
        %dma_start3A_108 = arith.constant 0 : i32
        %dma_start3A_109 = tpu.memref_slice %arg8[%arg0, %add3A_104, %dma_start3A_108] : memref<2x160000x16xf32, #tpu.memory_space<hbm>> -> memref<1x80x16xf32, #tpu.memory_space<hbm>>
        %dma_start3A_110 = tpu.memref_squeeze %dma_start3A_109 : memref<1x80x16xf32, #tpu.memory_space<hbm>> -> memref<80x16xf32, #tpu.memory_space<hbm>>
        tpu.enqueue_dma source(%arg19 : memref<80x16xf32, #tpu.memory_space<vmem>>) target(%dma_start3A_110 : memref<80x16xf32, #tpu.memory_space<hbm>>) target_semaphore(%arg23 : memref<!tpu.dma_semaphore, #tpu.memory_space<semaphore_mem>>)
      } else {
      }
    }
    %scan3A_28 = arith.constant 63 : i32
    %dma_wait3A = arith.constant 0 : i32
    %dma_wait3A_29 = arith.constant 0 : i32
    %dma_wait3A_30 = arith.constant 0 : i32
    %dma_wait3A_31 = tpu.memref_slice %arg8[%dma_wait3A, %dma_wait3A_29, %dma_wait3A_30] : memref<2x160000x16xf32, #tpu.memory_space<hbm>> -> memref<1x80x16xf32, #tpu.memory_space<hbm>>
    %dma_wait3A_32 = tpu.memref_squeeze %dma_wait3A_31 : memref<1x80x16xf32, #tpu.memory_space<hbm>> -> memref<80x16xf32, #tpu.memory_space<hbm>>
    %dma_wait3A_33 = arith.constant 0 : i32
    %dma_wait3A_34 = arith.constant 0 : i32
    %dma_wait3A_35 = tpu.memref_slice %arg8[%dma_wait3A, %dma_wait3A_33, %dma_wait3A_34] : memref<2x160000x16xf32, #tpu.memory_space<hbm>> -> memref<1x80x16xf32, #tpu.memory_space<hbm>>
    %dma_wait3A_36 = tpu.memref_squeeze %dma_wait3A_35 : memref<1x80x16xf32, #tpu.memory_space<hbm>> -> memref<80x16xf32, #tpu.memory_space<hbm>>
    tpu.wait_dma2 semaphore(%arg22 : memref<!tpu.dma_semaphore, #tpu.memory_space<semaphore_mem>>) src(%arg15 : memref<80x16xf32, #tpu.memory_space<vmem>>) dst(%dma_wait3A_36 : memref<80x16xf32, #tpu.memory_space<hbm>>)
    %dma_wait3A_37 = arith.constant 0 : i32
    %dma_wait3A_38 = arith.constant 0 : i32
    %dma_wait3A_39 = arith.constant 0 : i32
    %dma_wait3A_40 = tpu.memref_slice %arg8[%dma_wait3A_37, %dma_wait3A_38, %dma_wait3A_39] : memref<2x160000x16xf32, #tpu.memory_space<hbm>> -> memref<1x80x16xf32, #tpu.memory_space<hbm>>
    %dma_wait3A_41 = tpu.memref_squeeze %dma_wait3A_40 : memref<1x80x16xf32, #tpu.memory_space<hbm>> -> memref<80x16xf32, #tpu.memory_space<hbm>>
    %dma_wait3A_42 = arith.constant 0 : i32
    %dma_wait3A_43 = arith.constant 0 : i32
    %dma_wait3A_44 = tpu.memref_slice %arg8[%dma_wait3A_37, %dma_wait3A_42, %dma_wait3A_43] : memref<2x160000x16xf32, #tpu.memory_space<hbm>> -> memref<1x80x16xf32, #tpu.memory_space<hbm>>
    %dma_wait3A_45 = tpu.memref_squeeze %dma_wait3A_44 : memref<1x80x16xf32, #tpu.memory_space<hbm>> -> memref<80x16xf32, #tpu.memory_space<hbm>>
    tpu.wait_dma2 semaphore(%arg23 : memref<!tpu.dma_semaphore, #tpu.memory_space<semaphore_mem>>) src(%arg19 : memref<80x16xf32, #tpu.memory_space<vmem>>) dst(%dma_wait3A_45 : memref<80x16xf32, #tpu.memory_space<hbm>>)
    return
  }
}

</mosaic_0001>

<sc_bundles>
// kernel: _prep.3.cloned.1.call-start
scs
__scs_entry_jumppad:
0x0: {  	(pc) =	sbr.rel $0x88, $3  }
0x1: {  	(tag) =	ssettag $0x0;
	lr =	simm.s32 $0x1  }
0x2: {  	[smem:$0x3F9B] =	sst lr;
	_ =	strace $0xD0000000  }
0x3: {  	_ = 	snop  }
0x4: {  	_ = 	snop  }
0x5: {  	_ = 	snop  }
0x6: {  	_ = 	snop  }
0x7: {  	_ = 	snop  }
__scs_overlays_trampoline_lowered:
0x8: {  	[smem:$0x3FAA] =	sst s0  }
0x9: {  	[smem:$0x3FAB] =	sst s1  }
0xa: {  	[smem:$0x3FAC] =	sst s2  }
0xb: {  	[smem:$0x3FAD] =	sst s3  }
0xc: {  	[smem:$0x3FAE] =	sst s4  }
0xd: {  	[smem:$0x3FAF] =	sst s5  }
0xe: {  	[smem:$0x3FB0] =	sst s6  }
0xf: {  	[smem:$0x3FB1] =	sst s7  }
0x10: {  	[smem:$0x3FB2] =	sst s8  }
0x11: {  	[smem:$0x3FB3] =	sst s9;
	s0 =	simm.s32 @!p0 $0x0  }
0x12: {  	s1 =	sld [smem:$0x3F99];
	s0 =	simm.s32 @p0 $0x1  }
0x13: {  	[smem:$0x3FB4] =	sst s0;
	s0 =	simm.s32 @!p1 $0x0  }
0x14: {  	s2 =	sld [smem:$0x3F98];
	s0 =	simm.s32 @p1 $0x1  }
0x15: {  	[smem:$0x3FB5] =	sst s0;
	s0 =	simm.s32 @!p2 $0x0  }
0x16: {  	s3 =	sld [smem:$0x3FDB];
	s0 =	simm.s32 @p2 $0x1  }
0x17: {  	s4 =	simm.s32 $0x1BF5;
	[smem:$0x3FB7] =	sst s0  }
0x18: {  	s0 =	sld [smem:$0x3F9A];
	_ =	swait.ge [sflag:s4], $0x0  }
0x19: {  	s7 =	sld [smem:$0x3F9B]  }
0x1a: {  	s8 =	sadd.s32 $0xFFFFE003, lr  }
0x1b: {  	s9 =	sadd.s32 $0xFFFFFEF7, lr;
	s5 =	simm.s32 $0xFFFFFFFF;
	p2 =	slt.u32 s8, $0xFFFFF086  }
0x1c: {  	p1 =	slt.u32 s9, $0xF7A;
	s5 =	simm.s32 @!p2 $0x0  }
0x1d: {  	s5 =	simm.s32 @p1 $0x1;
	p0 =	seq.s32 s7, s2  }
0x1e: {  	s7 =	smul.u32 @!p0 $0xF7A, s2;
	p2 =	seq.s32 @!p0 s5, $0x0  }
0x1f: {  	s9 =	smul.u32 $0xF7A, s1;
	s8 =	simm.s32 @!p0 $0x1BF5;
	p2 =	por !p2, p0  }
0x20: {  	[sflag:s8] =	ssyncset.s32 @!p0 $0xFFFFF086;
	s6 =	sadd.s32 @!p0 s3, s7;
	s7 =	simm.s32 @!p0 $0x108  }
0x21: {  	s3 =	sadd.s32 s3, s9;
	s6 =	sadd.s32 @!p0 $0x88, s6;
	s7 =	simm.s32 @p2 $0x1082  }
0x22: {  	[simem:s7], [sflag:s8] =	dma.local @!p0 [hbm:s6], $0xF7A  }
0x23: {  	s9 =	sor.u32 $0xD0000000, s2;
	s6 =	simm.s32 $0x108;
	_ =	swait.ge @!p0 [sflag:s8], $0x0  }
0x24: {  	s3 =	sadd.s32 $0x88, s3;
	s6 =	simm.s32 @!p1 $0x1082;
	[sflag:s4] =	ssyncset.s32 $0xFFFFF086  }
0x25: {  	[simem:s6], [sflag:s4] =	dma.local [hbm:s3], $0xF7A  }
0x26: {  	[smem:$0x3F9B] =	sst s1;
	(tag) =	ssettag s2;
	_ =	strace s9  }
0x27: {  	s1 =	sld [smem:$0x3FAB]  }
0x28: {  	s2 =	sld [smem:$0x3FAC]  }
0x29: {  	s4 =	sld [smem:$0x3FAE]  }
0x2a: {  	p0 =	seq.s32 s5, $0x0;
	s5 =	sld [smem:$0x3FAF]  }
0x2b: {  	s6 =	sld [smem:$0x3FB0]  }
0x2c: {  	s7 =	sld [smem:$0x3FB1]  }
0x2d: {  	s3 =	simm.s32 $0x108;
	s8 =	sld [smem:$0x3FB2]  }
0x2e: {  	s3 =	simm.s32 @!p0 $0x1082;
	s9 =	sld [smem:$0x3FB3]  }
0x2f: {  	lr =	sadd.s32 s0, s3;
	s0 =	sld [smem:$0x3FAA]  }
0x30: {  	s3 =	sld [smem:$0x3FAD]  }
0x31: {  	[smem:$0x3FB6] =	sst s10  }
0x32: {  	s10 =	sld [smem:$0x3FB4];
	_ =	sdelay $0x3  }
0x33: {  	p0 =	seq.s32 s10, $0x1;
	s10 =	sld [smem:$0x3FB6];
	_ =	sdelay $0x3  }
0x34: {  	[smem:$0x3FB6] =	sst s10  }
0x35: {  	s10 =	sld [smem:$0x3FB5];
	_ =	sdelay $0x3  }
0x36: {  	p1 =	seq.s32 s10, $0x1;
	s10 =	sld [smem:$0x3FB6];
	_ =	sdelay $0x3  }
0x37: {  	[smem:$0x3FB6] =	sst s10  }
0x38: {  	s10 =	sld [smem:$0x3FB7]  }
0x39: {  	_ = 	snop;
	(pc) =	sbr.ind lr, $3  }
0x3a: {  	_ = 	snop  }
0x3b: {  	_ = 	snop  }
0x3c: {  	p2 =	seq.s32 s10, $0x1;
	s10 =	sld [smem:$0x3FB6]  }
0x3d: {  	_ =	shalt  }
0x3e: {  	_ =	shalt  }
0x3f: {  	_ =	shalt  }
0x40: {  	_ =	shalt  }
0x41: {  	_ =	shalt  }
0x42: {  	_ =	shalt  }
0x43: {  	_ =	shalt  }
0x44: {  	_ =	shalt  }
0x45: {  	_ =	shalt  }
0x46: {  	_ =	shalt  }
0x47: {  	_ =	shalt  }
0x48: {  	_ =	shalt  }
0x49: {  	_ =	shalt  }
0x4a: {  	_ =	shalt  }
0x4b: {  	_ =	shalt  }
0x4c: {  	_ =	shalt  }
0x4d: {  	_ =	shalt  }
0x4e: {  	_ =	shalt  }
0x4f: {  	_ =	shalt  }
0x50: {  	_ =	shalt  }
0x51: {  	_ =	shalt  }
0x52: {  	_ =	shalt  }
0x53: {  	_ =	shalt  }
0x54: {  	_ =	shalt  }
0x55: {  	_ =	shalt  }
0x56: {  	_ =	shalt  }
0x57: {  	_ =	shalt  }
0x58: {  	_ =	shalt  }
0x59: {  	_ =	shalt  }
0x5a: {  	_ =	shalt  }
0x5b: {  	_ =	shalt  }
0x5c: {  	_ =	shalt  }
0x5d: {  	_ =	shalt  }
0x5e: {  	_ =	shalt  }
0x5f: {  	_ =	shalt  }
0x60: {  	_ =	shalt  }
0x61: {  	_ =	shalt  }
0x62: {  	_ =	shalt  }
0x63: {  	_ =	shalt  }
0x64: {  	_ =	shalt  }
0x65: {  	_ =	shalt  }
0x66: {  	_ =	shalt  }
0x67: {  	_ =	shalt  }
0x68: {  	_ =	shalt  }
0x69: {  	_ =	shalt  }
0x6a: {  	_ =	shalt  }
0x6b: {  	_ =	shalt  }
0x6c: {  	_ =	shalt  }
0x6d: {  	_ =	shalt  }
0x6e: {  	_ =	shalt  }
0x6f: {  	_ =	shalt  }
0x70: {  	_ =	shalt  }
0x71: {  	_ =	shalt  }
0x72: {  	_ =	shalt  }
0x73: {  	_ =	shalt  }
0x74: {  	_ =	shalt  }
0x75: {  	_ =	shalt  }
0x76: {  	_ =	shalt  }
0x77: {  	_ =	shalt  }
0x78: {  	_ =	shalt  }
0x79: {  	_ =	shalt  }
0x7a: {  	_ =	shalt  }
0x7b: {  	_ =	shalt  }
0x7c: {  	_ =	shalt  }
0x7d: {  	_ =	shalt  }
0x7e: {  	_ =	shalt  }
0x7f: {  	_ =	shalt  }
0x80: {  	_ =	shalt  }
0x81: {  	_ =	shalt  }
0x82: {  	_ =	shalt  }
0x83: {  	_ =	shalt  }
0x84: {  	_ =	shalt  }
0x85: {  	_ =	shalt  }
0x86: {  	_ =	shalt  }
0x87: {  	_ =	shalt  }
.Lfunc_end0:
.L_simem_size_0:
called_computation_lowered:
.L_overlay_start_0:
0x88: {  	s2 =	sld [smem:$0x3FD9]  }
0x89: {  	s3 =	sld [smem:$0x3FFE];
	_ =	sdelay $0x1  }
0x8a: {  	s1 =	srdreg.scid  }
0x8b: {  	s0 =	sand.u32 $0x1, s1  }
0x8c: {  	s17 =	sshll.u32 s0, $0xA;
	s2 =	sadd.s32 s3, s2  }
0x8d: {  	s2 =	sadd.s32 s2, s17  }
0x8e: {  	[smem:$0x3FC2] =	sst s2  }
0x8f: {  	_ = 	snop  }
0x90: {  	s2 =	sld [smem:$0x3FC9]  }
0x91: {  	s18 =	sld [smem:$0x3FC8]  }
0x92: {  	s4 =	sld [smem:$0x3FC7]  }
0x93: {  	s5 =	sld [smem:$0x3FC6]  }
0x94: {  	s6 =	sld [smem:$0x3FC5];
	(tm) =	ssettm $0x1  }
0x95: {  	s7 =	sld [smem:$0x3FFB];
	_ =	sdelay $0x3  }
0x96: {  	_ =	strace s7  }
0x97: {  	s7 =	sld [smem:$0x3FFC];
	_ =	sdelay $0x3  }
0x98: {  	_ =	strace s7  }
0x99: {  	s7 =	sld [smem:$0x3FFD];
	_ =	sdelay $0x3  }
0x9a: {  	_ =	strace s7  }
0x9b: {  	_ =	strace $0x8FFFFFFF  }
0x9c: {  	s19 =	sld [smem:$0x3FDB];
	_ =	sdelay $0x1  }
0x9d: {  	s8 =	simm.s32 $_scs_section_size  }
0x9e: {  	s9 =	simm.s32 $_size__tile_overlayer_lowered;
	s10 =	simm.s32 $_tile_overlayer_lowered  }
0x9f: {  	s22 =	simm.s32 $0x1BFF;
	s21 =	sshll.u32 s10, $0x1;
	s7 =	sadd.s32 s8, s19  }
0xa0: {  	s11 =	simm.s32 $0x0;
	s20 =	sshll.u32 s9, $0x1;
	s9 =	sadd.s32 s21, s7  }
0xa1: {  	[timem:s11], [sflag:s22] =	dma.local [hbm:s9], s20  }
0xa2: {  	_ =	swait.ge [sflag:s22], s20  }
0xa3: {  	s8 =	ssub.s32 $0x0, s20;
	[sflag:s22] =	ssyncset.done $0x0  }
0xa4: {  	[sflag:s22] =	ssyncadd.s32 s8;
	_ =	sdelay $0x1  }
0xa5: {  	s23 =	simm.s32 $0x1B8B  }
0xa6: {  	_ =	swait.ge [sflag:s23], $0x1  }
0xa7: {  	[sflag:s23] =	ssyncset.done $0x0  }
0xa8: {  	s25 =	simm.s32 $0x1B8E;
	s24 =	sld [smem:$0x3FFE];
	[sflag:s23] =	ssyncadd.s32 $0xFFFFFFFF  }
0xa9: {  	s26 =	simm.s32 $execute0_lowered;
	[smem:$0x3FD2] =	sst s25  }
0xaa: {  	s9 =	sshll.u32 s26, $0x1;
	_ =	strace $0x80000046;
	[dreg:$0x1] =	wrdreg $0xFFFFFFFF  }
0xab: {  	s28 =	simm.s32 $_size_execute0_lowered;
	s7 =	sadd.s32 s7, s9;
	[dreg:$0x0] =	wrdreg $0x0  }
0xac: {  	s9 =	sshll.u32 s28, $0x1;
	[dreg:$0x2] =	wrdreg s7  }
0xad: {  	[dreg:$0x3] =	wrdreg s9  }
0xae: {  	[dreg:$0x4] =	wrdreg $0xC0  }
0xaf: {  	_ =	task [dreg:s11], $0x5FFFF  }
0xb0: {  	[dreg:$0x1] =	wrdreg $0xFFFFFFFF  }
0xb1: {  	[dreg:$0x0] =	wrdreg $0x60  }
0xb2: {  	[dreg:$0x2] =	wrdreg s2  }
0xb3: {  	[dreg:$0x3] =	wrdreg s18  }
0xb4: {  	[dreg:$0x4] =	wrdreg s4  }
0xb5: {  	[dreg:$0x5] =	wrdreg s5  }
0xb6: {  	[dreg:$0x6] =	wrdreg s6  }
0xb7: {  	[dreg:$0x7] =	wrdreg s24  }
0xb8: {  	[dreg:$0x8] =	wrdreg $0x9  }
0xb9: {  	_ =	task.clear_ibuf [dreg:s11], $0x9FFFF;
	_ =	strace $0x90000046  }
0xba: {  	s29 =	simm.s32 $0x9;
	_ =	strace $0x80000048  }
0xbb: {  	_ =	swait.ge [sflag:s29], $0x1  }
0xbc: {  	[sflag:s29] =	ssyncadd.s32 $0xFFFFFFFF  }
0xbd: {  	_ =	strace $0x90000048  }
0xbe: {  	_ =	sfence  }
0xbf: {  	s30 =	sld [smem:$0x0];
	_ =	sdelay $0x2  }
0xc0: {  	s31 =	sshll.u32 s1, $0xD;
	s1 =	sshrl.u32 s1, $0x2  }
0xc1: {  	s3 =	sand.u32 $0x4000, s31;
	s1 =	sadd.s32 s1, s30  }
0xc2: {  	s0 =	sor.u32 s3, s0;
	s1 =	sshll.u32 s1, $0x11  }
0xc3: {  	s0 =	sor.u32 s1, s0  }
0xc4: {  	s0 =	sadd.s32 $0x8F2B, s0  }
0xc5: {  	[sflag:s0] =	ssyncadd.remote.s32 $0x1  }
0xc6: {  	_ =	sfence.sel $0xFFFF  }
0xc7: {  	[dreg:$0x0] =	wrdreg $0xFFFFFFFF;
	(pc) =	sbr.abs _section_cstart, $3  }
0xc8: {  	[dreg:$0x1] =	wrdreg $0xFFFFFFFF  }
0xc9: {  	_ =	task.clear_ibuf [dreg:s11], $0x2FFFF;
	_ =	strace $0x9FFFFFFF  }
0xca: {  	(tm) =	ssettm $0x7FFFFFFF  }
0xcb: {  	_ =	shalt  }
tec
execute0_lowered:
.L_overlay_start_1:
0x0: {  	(tag) =	ssettag $0x1  }
0x1: {  	s4 =	rddreg [dreg:$0x3]  }
0x2: {  	s5 =	rddreg [dreg:$0x4]  }
0x3: {  	s0 =	rddreg [dreg:$0x5]  }
0x4: {  	s1 =	srdreg.scid;
	s7 =	simm.s32 $0x0;
	s6 =	stileid.u32  }
0x5: {  	s18 =	simm.s32 $0x5;
	s19 =	simm.s32 $0x2780;
	s20 =	simm.s32 $0x4F00  }
0x6: {  	s23 =	simm.s32 $0x7780;
	s24 =	simm.s32 $0x1;
	s28 =	simm.s32 $0xF080  }
0x7: {  	s29 =	simm.s32 $0xC880;
	s30 =	simm.s32 $0x3;
	s31 =	simm.s32 $0x4  }
0x8: {  	s1 =	sand.u32 $0x1, s1;
	[smem:$0x7FF] =	sst s7;
	s9 =	sadd.s32 $0x400, s0  }
0x9: {  	s10 =	sadd.s32 $0x4E2400, s0;
	s15 =	smul.u32 $0x2710, s6;
	s2 =	sshll.u32 s1, $0x4  }
0xa: {  	_ =	strace $0x80000047;
	s13 =	smul.u32 $0x1388000, s1;
	s2 =	sor.u32 s6, s2  }
0xb: {  	s3 =	ssub.s32 $0x2, s1;
	s1 =	simm.s32 $0x0;
	s8 =	smul.u32 $0x2710, s2  }
.Ltmp0:
0xc: {  	s25 =	sshrl.u32 s3, $0x1;
	s6 =	simm.s32 $0x0;
	(pc) =	sbr.rel .LBB2_1-.Ltmp0, $4  }
0xd: {  	s0 =	ssub.s32 s3, s25;
	s2 =	smul.u32 $0x27100, s2;
	s26 =	sshrl.u32 s8, $0x3  }
0xe: {  	s25 =	simm.s32 $0x9F80;
	s17 =	smax.u32 s0, $0x1;
	s11 =	sadd.s32 s4, s26  }
0xf: {  	v1 =	vlaneseq.u32;
	s14 =	sadd.s32 s9, s2;
	s3 =	sadd.s32 s5, s26;
	[dreg:$0x7] =	wrdreg s11  }
0x10: {  	v0 =	vimm.f32 $0.0e+00;
	v1 =	vmul.u32 $0x80, v1;
	s16 =	sadd.s32 $0xA0, s8;
	s26 =	simm.s32 $0x2;
	[dreg:$0x8] =	wrdreg s3  }
.LBB2_13:
0x11: {  	s1 =	sadd.s32 $0x1, s1  }
0x12: {  	_ =	swait.ge [sflag:s30], $0x2800;
	p0 =	sne.s32 s1, s17  }
.Ltmp1:
0x13: {  	[sflag:s30] =	ssyncset.done $0x0;
	(pc) =	sbr.rel @!p0 .LBB2_14-.Ltmp1, $4  }
0x14: {  	[sflag:s30] =	ssyncadd.s32 $0xFFFFD800  }
0x15: {  	_ =	swait.ge [sflag:s31], $0x2800  }
0x16: {  	[sflag:s31] =	ssyncset.done $0x0  }
0x17: {  	[sflag:s31] =	ssyncadd.s32 $0xFFFFD800  }
.LBB2_1:
0x18: {  	s0 =	rddreg [dreg:$0x0]  }
0x19: {  	[tilespmem:s7], [sflag:$0x5] =	stream.linear.gather [hbm4b:s0+s7], $0x2780, $0x38;
	[tilespmem:$0x11880] =	vst v63  }
0x1a: {  	_ =	swait.ge [sflag:s18], $0x2780  }
0x1b: {  	[sflag:s18] =	ssyncset.done $0x0  }
0x1c: {  	[sflag:s18] =	ssyncadd.s32 $0xFFFFD880  }
0x1d: {  	s21 =	rddreg [dreg:$0x1]  }
0x1e: {  	[tilespmem:s19], [sflag:$0x5] =	stream.linear.gather [hbm4b:s21+s7], $0x2780, $0x38;
	[tilespmem:$0x11880] =	vst v63  }
0x1f: {  	_ =	swait.ge [sflag:s18], $0x2780  }
0x20: {  	[sflag:s18] =	ssyncset.done $0x0  }
0x21: {  	[sflag:s18] =	ssyncadd.s32 $0xFFFFD880  }
0x22: {  	s22 =	rddreg [dreg:$0x2]  }
0x23: {  	[tilespmem:s20], [sflag:$0x5] =	stream.linear.gather [hbm4b:s22+s7], $0x2780, $0x38;
	[tilespmem:$0x11880] =	vst v63  }
0x24: {  	_ =	swait.ge [sflag:s18], $0x2780  }
0x25: {  	[sflag:s18] =	ssyncset.done $0x0  }
0x26: {  	s0 =	simm.s32 $0x0;
	[sflag:s18] =	ssyncadd.s32 $0xFFFFD880  }
.LBB2_2:
0x27: {  	p0 =	sne.s32 s0, $0x9E00  }
.Ltmp2:
0x28: {  	_ = 	snop;
	(pc) =	sbr.rel @p0 .LBB2_2-.Ltmp2, $3  }
0x29: {  	_ =	sdelay $0x1  }
0x2a: {  	s2 =	sshra.s32 s0, $0x2  }
0x2b: {  	s0 =	sadd.s32 $0x200, s0;
	[tilespmem:s2+$0x9F80] =	vst v0  }
0x2c: {  	s0 =	simm.s32 $0x200;
	s2 =	simm.s32 $0x0  }
.LBB2_4:
0x2d: {  	p0 =	sne.s32 s0, $0x9E00;
	[tilespmem:s2+$0xF080] =	vst v0;
	s2 =	smov.u32 s0;
	s0 =	sadd.s32 $0x200, s0  }
.Ltmp3:
0x2e: {  	(pc) =	sbr.rel @p0 .LBB2_4-.Ltmp3, $2  }
0x2f: {  	_ =	sdelay $0x2  }
0x30: {  	s2 =	sshra.s32 s2, $0x2  }
0x31: {  	[tilespmem:s2+$0xF080] =	vst v0;
	s0 =	rddreg [dreg:$0x7];
	s12 =	simm.s32 $0x7680  }
0x32: {  	[tilespmem:s12], [sflag:$0x1] =	stream.linear.gather [hbm4b:s0+s6], $0x50, $0x38;
	[tilespmem:$0x11880] =	vst v63  }
.Ltmp4:
0x33: {  	_ = 	snop;
	(pc) =	sbr.rel .LBB2_6-.Ltmp4, $4  }
0x34: {  	s21 =	rddreg [dreg:$0x8];
	s22 =	simm.s32 $0x7700  }
0x35: {  	[tilespmem:s22], [sflag:$0x1] =	stream.linear.gather [hbm4b:s21+s6], $0x50, $0x38;
	[tilespmem:$0x11880] =	vst v63  }
0x36: {  	s0 =	simm.s32 $0x0  }
0x37: {  	[tilespmem:s23], [sflag:$0x1] =	stream.linear.gather [hbm4b:s14+s6], $0x2800, $0x38;
	[tilespmem:$0x11880] =	vst v63  }
.LBB2_12:
0x38: {  	s0 =	sadd.s32 $0x1, s0  }
0x39: {  	p0 =	sne.s32 s0, $0x3F  }
.Ltmp5:
0x3a: {  	_ = 	snop;
	(pc) =	sbr.rel @!p0 .LBB2_13-.Ltmp5, $1  }
0x3b: {  	_ =	sdelay $0x3  }
.LBB2_6:
0x3c: {  	s2 =	sshllo.u32 s0, $0x1  }
0x3d: {  	p0 =	sgt.u32 s2, $0x7C  }
0x3e: {  	s3 =	smul.u32 @!p0 $0x50, s2;
	_ =	sdelay $0x1  }
0x3f: {  	s3 =	sadd.s32 @!p0 s8, s3  }
0x40: {  	s21 =	sshrl.u32 @!p0 s3, $0x3  }
0x41: {  	s11 =	simm.s32 @!p0 $0x0;
	s12 =	simm.s32 @!p0 $0xC780;
	s22 =	sadd.s32 @!p0 s4, s21  }
0x42: {  	[tilespmem:s12], [sflag:$0x2] =	stream.linear.gather @!p0 [hbm4b:s22+s11], $0x50, $0x38;
	[tilespmem:$0x11880] =	vst v63  }
0x43: {  	s3 =	sshll.u32 @!p0 s3, $0x4;
	s12 =	sadd.s32 @!p0 s5, s21;
	s21 =	simm.s32 @!p0 $0xC800  }
0x44: {  	[tilespmem:s21], [sflag:$0x2] =	stream.linear.gather @!p0 [hbm4b:s12+s11], $0x50, $0x38;
	[tilespmem:$0x11880] =	vst v63  }
0x45: {  	s3 =	sadd.s32 @!p0 s9, s3;
	s12 =	simm.s32 @!p0 $0xC880  }
0x46: {  	[tilespmem:s12], [sflag:$0x2] =	stream.linear.gather @!p0 [hbm4b:s3+s11], $0x2800, $0x38;
	[tilespmem:$0x11880] =	vst v63  }
0x47: {  	_ =	swait.ge [sflag:s24], $0x50  }
0x48: {  	[sflag:s24] =	ssyncset.done $0x0  }
0x49: {  	[sflag:s24] =	ssyncadd.s32 $0xFFFFFFB0  }
0x4a: {  	_ =	swait.ge [sflag:s24], $0x50  }
0x4b: {  	[sflag:s24] =	ssyncset.done $0x0  }
0x4c: {  	[sflag:s24] =	ssyncadd.s32 $0xFFFFFFB0  }
0x4d: {  	_ =	swait.ge [sflag:s24], $0x2800  }
0x4e: {  	p1 =	seq.s32 s0, $0x0;
	[sflag:s24] =	ssyncset.done $0x0  }
0x4f: {  	s3 =	simm.s32 @!p1 $0x3;
	[sflag:s24] =	ssyncadd.s32 $0xFFFFD800  }
0x50: {  	_ =	swait.ge @!p1 [sflag:s3], $0x2800  }
0x51: {  	[sflag:s3] =	ssyncset.done @!p1 $0x0  }
0x52: {  	[sflag:s3] =	ssyncadd.s32 @!p1 $0xFFFFD800;
	s3 =	simm.s32 $0x7680  }
0x53: {  	s21 =	simm.s32 $0x7700;
	v2 =	vld [tilespmem:s3+$0x0]  }
0x54: {  	v3 =	vld [tilespmem:s21+$0x0];
	_ =	sdelay $0x6  }
0x55: {  	v4 =	vld.idx.msk [tilespmem:v2+s7+$0x0], $0xffff  }
0x56: {  	v6 =	vmov s6;
	v5 =	vld.idx.msk [tilespmem:v3+s7+$0x0], $0xffff  }
0x57: {  	v6 =	vshll.u32 v6, $0x7  }
0x58: {  	v6 =	vor.u32 v1, v6;
	_ =	sdelay $0x2  }
0x59: {  	v4 =	vsub.f32 v4, v5;
	_ =	sdelay $0x1  }
0x5a: {  	[tilespmem:v6+s25+$0x0] =	vst.idx.msk $0xffff, v4  }
0x5b: {  	v4 =	vld.idx.msk [tilespmem:v2+s19+$0x0], $0xffff  }
0x5c: {  	v5 =	vld.idx.msk [tilespmem:v3+s19+$0x0], $0xffff;
	_ =	sdelay $0x1  }
0x5d: {  	v7 =	vor.u32 $0x1, v6;
	_ =	sdelay $0x2  }
0x5e: {  	v4 =	vsub.f32 v4, v5;
	_ =	sdelay $0x1  }
0x5f: {  	[tilespmem:v7+s25+$0x0] =	vst.idx.msk $0xffff, v4  }
0x60: {  	v2 =	vld.idx.msk [tilespmem:v2+s20+$0x0], $0xffff  }
0x61: {  	v3 =	vld.idx.msk [tilespmem:v3+s20+$0x0], $0xffff;
	_ =	sdelay $0x1  }
0x62: {  	v4 =	vor.u32 $0x2, v6;
	_ =	sdelay $0x2  }
0x63: {  	v2 =	vsub.f32 v2, v3;
	_ =	sdelay $0x1  }
0x64: {  	[tilespmem:v4+s25+$0x0] =	vst.idx.msk $0xffff, v2  }
0x65: {  	v3 =	vor.u32 $0x3, v6;
	v2 =	vld.idx.msk [tilespmem:v6+s23+$0x0], $0xffff;
	_ =	sdelay $0x4  }
0x66: {  	[tilespmem:v3+s25+$0x0] =	vst.idx.msk $0xffff, v2  }
0x67: {  	v2 =	vor.u32 $0x4, v6;
	v5 =	vld.idx.msk [tilespmem:v7+s23+$0x0], $0xffff;
	_ =	sdelay $0x4  }
0x68: {  	[tilespmem:v2+s25+$0x0] =	vst.idx.msk $0xffff, v5  }
0x69: {  	v2 =	vor.u32 $0x5, v6;
	v4 =	vld.idx.msk [tilespmem:v4+s23+$0x0], $0xffff;
	_ =	sdelay $0x4  }
0x6a: {  	[tilespmem:v2+s25+$0x0] =	vst.idx.msk $0xffff, v4  }
0x6b: {  	s22 =	simm.s32 $0x10;
	v2 =	vor.u32 $0x6, v6;
	v3 =	vld.idx.msk [tilespmem:v3+s23+$0x0], $0xffff  }
.LBB2_7:
0x6c: {  	_ =	sdelay $0x1  }
0x6d: {  	p2 =	sne.s32 s22, $0x40;
	s3 =	sadd.s32 $0x10, s3;
	s21 =	sadd.s32 $0x10, s21  }
0x6e: {  	s11 =	smov.u32 s22;
	s22 =	sadd.s32 $0x10, s22  }
0x6f: {  	[tilespmem:v2+s25+$0x0] =	vst.idx.msk $0xffff, v3  }
0x70: {  	v2 =	vld [tilespmem:s3+$0x0]  }
0x71: {  	v3 =	vld [tilespmem:s21+$0x0];
	_ =	sdelay $0x6  }
0x72: {  	v4 =	vld.idx.msk [tilespmem:v2+s7+$0x0], $0xffff  }
0x73: {  	v5 =	vld.idx.msk [tilespmem:v3+s7+$0x0], $0xffff  }
0x74: {  	v6 =	vmov s11  }
0x75: {  	v6 =	vshll.u32 v6, $0x7  }
0x76: {  	v6 =	vor.u32 v1, v6;
	_ =	sdelay $0x2  }
0x77: {  	v4 =	vsub.f32 v4, v5;
	_ =	sdelay $0x1  }
0x78: {  	[tilespmem:v6+s25+$0x0] =	vst.idx.msk $0xffff, v4  }
0x79: {  	v4 =	vld.idx.msk [tilespmem:v2+s19+$0x0], $0xffff  }
0x7a: {  	v5 =	vld.idx.msk [tilespmem:v3+s19+$0x0], $0xffff;
	_ =	sdelay $0x1  }
0x7b: {  	v7 =	vor.u32 $0x1, v6;
	_ =	sdelay $0x3  }
0x7c: {  	v4 =	vsub.f32 v4, v5;
	_ =	sdelay $0x1  }
0x7d: {  	[tilespmem:v7+s25+$0x0] =	vst.idx.msk $0xffff, v4  }
0x7e: {  	v2 =	vld.idx.msk [tilespmem:v2+s20+$0x0], $0xffff  }
0x7f: {  	v3 =	vld.idx.msk [tilespmem:v3+s20+$0x0], $0xffff  }
0x80: {  	v4 =	vor.u32 $0x2, v6;
	_ =	sdelay $0x4  }
0x81: {  	v2 =	vsub.f32 v2, v3;
	_ =	sdelay $0x1  }
0x82: {  	v3 =	vor.u32 $0x3, v6;
	[tilespmem:v4+s25+$0x0] =	vst.idx.msk $0xffff, v2  }
0x83: {  	v2 =	vld.idx.msk [tilespmem:v6+s23+$0x0], $0xffff;
	_ =	sdelay $0x5  }
0x84: {  	[tilespmem:v3+s25+$0x0] =	vst.idx.msk $0xffff, v2;
	v2 =	vor.u32 $0x4, v6  }
0x85: {  	v5 =	vld.idx.msk [tilespmem:v7+s23+$0x0], $0xffff;
	_ =	sdelay $0x5  }
0x86: {  	[tilespmem:v2+s25+$0x0] =	vst.idx.msk $0xffff, v5;
	v2 =	vor.u32 $0x5, v6  }
0x87: {  	v4 =	vld.idx.msk [tilespmem:v4+s23+$0x0], $0xffff;
	_ =	sdelay $0x2  }
.Ltmp6:
0x88: {  	(pc) =	sbr.rel @p2 .LBB2_7-.Ltmp6, $3  }
0x89: {  	_ =	sdelay $0x1  }
0x8a: {  	[tilespmem:v2+s25+$0x0] =	vst.idx.msk $0xffff, v4;
	v2 =	vor.u32 $0x6, v6  }
0x8b: {  	v3 =	vld.idx.msk [tilespmem:v3+s23+$0x0], $0xffff  }
0x8c: {  	s3 =	smul.u32 $0xA0, s0;
	_ =	sdelay $0x1  }
0x8d: {  	s11 =	sadd.s32 s15, s3  }
0x8e: {  	s11 =	sshll.u32 s11, $0x7  }
0x8f: {  	s11 =	sadd.s32 s13, s11  }
0x90: {  	p2 =	seq.s32 s0, $0x3E;
	s11 =	sshrl.u32 s11, $0x3  }
0x91: {  	s3 =	sadd.s32 @!p2 s3, s16;
	[tilespmem:v2+s25+$0x0] =	vst.idx.msk $0xffff, v3;
	s11 =	sadd.s32 s10, s11  }
0x92: {  	[hbm4b:s11+s7] =	stream.linear.scatter [tilespmem:s25], [sflag:$0x3], $0x2800, $0x38;
	[tilespmem:$0x11880] =	vst v63  }
0x93: {  	s11 =	sshrl.u32 @!p2 s3, $0x3  }
0x94: {  	s21 =	simm.s32 @!p2 $0x0;
	s22 =	simm.s32 @!p2 $0x7680;
	s12 =	sadd.s32 @!p2 s4, s11  }
0x95: {  	[tilespmem:s22], [sflag:$0x1] =	stream.linear.gather @!p2 [hbm4b:s12+s21], $0x50, $0x38;
	[tilespmem:$0x11880] =	vst v63  }
.Ltmp7:
0x96: {  	_ = 	snop;
	(pc) =	sbr.rel @p0 .LBB2_12-.Ltmp7, $4  }
0x97: {  	s3 =	sshll.u32 @!p2 s3, $0x4;
	s11 =	sadd.s32 @!p2 s5, s11;
	s12 =	simm.s32 @!p2 $0x7700  }
0x98: {  	[tilespmem:s12], [sflag:$0x1] =	stream.linear.gather @!p2 [hbm4b:s11+s21], $0x50, $0x38;
	[tilespmem:$0x11880] =	vst v63  }
0x99: {  	s3 =	sadd.s32 @!p2 s9, s3;
	s11 =	simm.s32 @!p2 $0x7780  }
0x9a: {  	[tilespmem:s11], [sflag:$0x1] =	stream.linear.gather @!p2 [hbm4b:s3+s21], $0x2800, $0x38;
	[tilespmem:$0x11880] =	vst v63  }
0x9b: {  	_ =	swait.ge [sflag:s26], $0x50  }
0x9c: {  	[sflag:s26] =	ssyncset.done $0x0  }
0x9d: {  	[sflag:s26] =	ssyncadd.s32 $0xFFFFFFB0  }
0x9e: {  	_ =	swait.ge [sflag:s26], $0x50  }
0x9f: {  	[sflag:s26] =	ssyncset.done $0x0  }
0xa0: {  	[sflag:s26] =	ssyncadd.s32 $0xFFFFFFB0  }
0xa1: {  	_ =	swait.ge [sflag:s26], $0x2800  }
0xa2: {  	[sflag:s26] =	ssyncset.done $0x0  }
0xa3: {  	s3 =	simm.s32 @!p1 $0x4;
	[sflag:s26] =	ssyncadd.s32 $0xFFFFD800  }
0xa4: {  	_ =	swait.ge @!p1 [sflag:s3], $0x2800  }
0xa5: {  	[sflag:s3] =	ssyncset.done @!p1 $0x0  }
0xa6: {  	[sflag:s3] =	ssyncadd.s32 @!p1 $0xFFFFD800;
	s3 =	simm.s32 $0xC780  }
0xa7: {  	s21 =	simm.s32 $0xC800;
	v2 =	vld [tilespmem:s3+$0x0]  }
0xa8: {  	v3 =	vld [tilespmem:s21+$0x0];
	_ =	sdelay $0x6  }
0xa9: {  	s11 =	simm.s32 $0x0;
	v4 =	vld.idx.msk [tilespmem:v2+s7+$0x0], $0xffff  }
0xaa: {  	v6 =	vmov s11;
	v5 =	vld.idx.msk [tilespmem:v3+s7+$0x0], $0xffff  }
0xab: {  	v6 =	vshll.u32 v6, $0x7  }
0xac: {  	v6 =	vor.u32 v1, v6;
	_ =	sdelay $0x2  }
0xad: {  	v4 =	vsub.f32 v4, v5;
	_ =	sdelay $0x1  }
0xae: {  	[tilespmem:v6+s28+$0x0] =	vst.idx.msk $0xffff, v4  }
0xaf: {  	v4 =	vld.idx.msk [tilespmem:v2+s19+$0x0], $0xffff  }
0xb0: {  	v5 =	vld.idx.msk [tilespmem:v3+s19+$0x0], $0xffff;
	_ =	sdelay $0x1  }
0xb1: {  	v7 =	vor.u32 $0x1, v6;
	_ =	sdelay $0x2  }
0xb2: {  	v4 =	vsub.f32 v4, v5;
	_ =	sdelay $0x1  }
0xb3: {  	[tilespmem:v7+s28+$0x0] =	vst.idx.msk $0xffff, v4  }
0xb4: {  	v2 =	vld.idx.msk [tilespmem:v2+s20+$0x0], $0xffff  }
0xb5: {  	v3 =	vld.idx.msk [tilespmem:v3+s20+$0x0], $0xffff;
	_ =	sdelay $0x1  }
0xb6: {  	v4 =	vor.u32 $0x2, v6;
	_ =	sdelay $0x2  }
0xb7: {  	v2 =	vsub.f32 v2, v3;
	_ =	sdelay $0x1  }
0xb8: {  	[tilespmem:v4+s28+$0x0] =	vst.idx.msk $0xffff, v2  }
0xb9: {  	v3 =	vor.u32 $0x3, v6;
	v2 =	vld.idx.msk [tilespmem:v6+s29+$0x0], $0xffff;
	_ =	sdelay $0x4  }
0xba: {  	[tilespmem:v3+s28+$0x0] =	vst.idx.msk $0xffff, v2  }
0xbb: {  	v2 =	vor.u32 $0x4, v6;
	v5 =	vld.idx.msk [tilespmem:v7+s29+$0x0], $0xffff;
	_ =	sdelay $0x4  }
0xbc: {  	[tilespmem:v2+s28+$0x0] =	vst.idx.msk $0xffff, v5  }
0xbd: {  	v2 =	vor.u32 $0x5, v6;
	v4 =	vld.idx.msk [tilespmem:v4+s29+$0x0], $0xffff;
	_ =	sdelay $0x4  }
0xbe: {  	[tilespmem:v2+s28+$0x0] =	vst.idx.msk $0xffff, v4  }
0xbf: {  	s22 =	simm.s32 $0x10;
	v2 =	vor.u32 $0x6, v6;
	v3 =	vld.idx.msk [tilespmem:v3+s29+$0x0], $0xffff  }
.LBB2_10:
0xc0: {  	_ =	sdelay $0x1  }
0xc1: {  	p0 =	sne.s32 s22, $0x40;
	s3 =	sadd.s32 $0x10, s3;
	s21 =	sadd.s32 $0x10, s21  }
0xc2: {  	s11 =	smov.u32 s22;
	s22 =	sadd.s32 $0x10, s22  }
0xc3: {  	[tilespmem:v2+s28+$0x0] =	vst.idx.msk $0xffff, v3  }
0xc4: {  	v2 =	vld [tilespmem:s3+$0x0]  }
0xc5: {  	v3 =	vld [tilespmem:s21+$0x0];
	_ =	sdelay $0x6  }
0xc6: {  	v4 =	vld.idx.msk [tilespmem:v2+s7+$0x0], $0xffff  }
0xc7: {  	v5 =	vld.idx.msk [tilespmem:v3+s7+$0x0], $0xffff  }
0xc8: {  	v6 =	vmov s11  }
0xc9: {  	v6 =	vshll.u32 v6, $0x7  }
0xca: {  	v6 =	vor.u32 v1, v6;
	_ =	sdelay $0x2  }
0xcb: {  	v4 =	vsub.f32 v4, v5;
	_ =	sdelay $0x1  }
0xcc: {  	[tilespmem:v6+s28+$0x0] =	vst.idx.msk $0xffff, v4  }
0xcd: {  	v4 =	vld.idx.msk [tilespmem:v2+s19+$0x0], $0xffff  }
0xce: {  	v5 =	vld.idx.msk [tilespmem:v3+s19+$0x0], $0xffff;
	_ =	sdelay $0x1  }
0xcf: {  	v7 =	vor.u32 $0x1, v6;
	_ =	sdelay $0x3  }
0xd0: {  	v4 =	vsub.f32 v4, v5;
	_ =	sdelay $0x1  }
0xd1: {  	[tilespmem:v7+s28+$0x0] =	vst.idx.msk $0xffff, v4  }
0xd2: {  	v2 =	vld.idx.msk [tilespmem:v2+s20+$0x0], $0xffff  }
0xd3: {  	v3 =	vld.idx.msk [tilespmem:v3+s20+$0x0], $0xffff  }
0xd4: {  	v4 =	vor.u32 $0x2, v6;
	_ =	sdelay $0x4  }
0xd5: {  	v2 =	vsub.f32 v2, v3;
	_ =	sdelay $0x1  }
0xd6: {  	v3 =	vor.u32 $0x3, v6;
	[tilespmem:v4+s28+$0x0] =	vst.idx.msk $0xffff, v2  }
0xd7: {  	v2 =	vld.idx.msk [tilespmem:v6+s29+$0x0], $0xffff;
	_ =	sdelay $0x5  }
0xd8: {  	[tilespmem:v3+s28+$0x0] =	vst.idx.msk $0xffff, v2;
	v2 =	vor.u32 $0x4, v6  }
0xd9: {  	v5 =	vld.idx.msk [tilespmem:v7+s29+$0x0], $0xffff;
	_ =	sdelay $0x5  }
0xda: {  	[tilespmem:v2+s28+$0x0] =	vst.idx.msk $0xffff, v5;
	v2 =	vor.u32 $0x5, v6  }
0xdb: {  	v4 =	vld.idx.msk [tilespmem:v4+s29+$0x0], $0xffff;
	_ =	sdelay $0x2  }
.Ltmp8:
0xdc: {  	(pc) =	sbr.rel @p0 .LBB2_10-.Ltmp8, $3  }
0xdd: {  	_ =	sdelay $0x1  }
0xde: {  	[tilespmem:v2+s28+$0x0] =	vst.idx.msk $0xffff, v4;
	v2 =	vor.u32 $0x6, v6  }
0xdf: {  	v3 =	vld.idx.msk [tilespmem:v3+s29+$0x0], $0xffff  }
0xe0: {  	s2 =	smul.u32 $0x50, s2;
	_ =	sdelay $0x1  }
0xe1: {  	s2 =	sadd.s32 s15, s2  }
.Ltmp9:
0xe2: {  	s2 =	sshll.u32 s2, $0x7;
	(pc) =	sbr.rel .LBB2_12-.Ltmp9, $4  }
0xe3: {  	s2 =	sadd.s32 s13, s2  }
0xe4: {  	s2 =	sshrl.u32 s2, $0x3  }
0xe5: {  	[tilespmem:v2+s28+$0x0] =	vst.idx.msk $0xffff, v3;
	s2 =	sadd.s32 s10, s2  }
0xe6: {  	[hbm4b:s2+s7] =	stream.linear.scatter [tilespmem:s28], [sflag:$0x4], $0x2800, $0x38;
	[tilespmem:$0x11880] =	vst v63  }
.LBB2_14:
0xe7: {  	_ =	sfence.sel $0x180000  }
0xe8: {  	[bflag:$0x0] =	sbarrier.arrive $0xFFFF  }
0xe9: {  	_ =	strace $0x90000047  }
0xea: {  	s0 =	stileid.u32;
	[bflag:$0x2] =	sbarrier.arrive $0xFFFF  }
0xeb: {  	p0 =	sne.s32 s0, $0x0;
	s0 =	rddreg [dreg:$0x6]  }
0xec: {  	s0 =	sadd.s32 @!p0 $0x100000, s0  }
0xed: {  	[sflag:s0] =	ssyncadd.tile.s32 @!p0 $0x1;
	_ =	shalt  }
.Lfunc_end2:
_tile_overlayer_lowered:
.L_overlay_start_2:
0xee: {  	(tag) =	ssettag $0x2  }
0xef: {  	s0 =	rddreg [dreg:$0x0];
	s2 =	stileid.u32  }
0xf0: {  	s1 =	rddreg [dreg:$0x1];
	p0 =	sne.s32 s2, $0x0  }
0xf1: {  	s3 =	rddreg [dreg:$0x2];
	[bflag:$0x3] =	sbarrier.arrive $0xFFFF;
	s2 =	simm.s32 @!p0 $0x1C05  }
0xf2: {  	[timem:s3], [sflag:s2] =	dma.local @!p0 [hbm:s0], s1  }
0xf3: {  	s0 =	simm.s32 @!p0 $0x5  }
0xf4: {  	_ =	swait.ge @!p0 [sflag:s0], s1  }
0xf5: {  	s1 =	ssub.s32 @!p0 $0x0, s1;
	[sflag:s0] =	ssyncset.done @!p0 $0x0  }
0xf6: {  	[sflag:s0] =	ssyncadd.s32 @!p0 s1  }
0xf7: {  	[bflag:$0x3] =	sbarrier.arrive $0xFFFF  }
0xf8: {  	_ =	shalt  }

</sc_bundles>
